<compile_context>
chip_gen: v7x
topology: tpu7x:2x2x1
jax: 0.10.2.dev20260603
libtpu: 0.0.44.dev20260713+nightly
codegen_flags: <defaults>
</compile_context>

<pallas_src>
import functools

import jax
import jax.numpy as jnp
from jax import lax
from jax.experimental import pallas as pl
from jax.experimental.pallas import tpu as pltpu
from jax.experimental.pallas import tpu_sc as plsc

N = 10000
E = 320000
IN_DIM = 128
HID_DIM = 128
OUT_DIM = 64
HALF = HID_DIM // 2

NC = 2
NS = 16
NW = NC * NS
CH = 125
EPW = E // NW
NCHUNK = EPW // CH
EPS = E // NS
NCHUNK1 = EPS // CH
ROWS_PT = N // NS
NBUF = 4

_SELU_ALPHA = 1.6732632423543772
_SELU_SCALE = 1.0507009873554805


def _make_sc_scatter_l1():
  mesh = plsc.VectorSubcoreMesh(core_axis_name="c", subcore_axis_name="s")

  @functools.partial(
      pl.kernel,
      out_type=jax.ShapeDtypeStruct((NC, N, HALF), jnp.float32),
      mesh=mesh,
      compiler_params=pltpu.CompilerParams(use_tc_tiling_on_sc=False,
                                           skip_device_barrier=True),
      scratch_types=[
          pltpu.VMEM((NCHUNK1, CH), jnp.int32),
          pltpu.VMEM((NCHUNK1, CH), jnp.int32),
          pltpu.VMEM((NBUF, CH, HALF), jnp.float32),
          pltpu.VMEM_SHARED((N, HALF), jnp.float32),
          pltpu.SemaphoreType.DMA,
          pltpu.SemaphoreType.DMA,
      ],
  )
  def sc_scatter1(table_hbm, src_hbm, dst_hbm, zeros_hbm, out_hbm,
                  src_v, dst_v, buf, acc, gsem, ssem):
    cid = lax.axis_index("c")
    sid = lax.axis_index("s")

    pltpu.sync_copy(zeros_hbm.at[pl.ds(sid * ROWS_PT, ROWS_PT)],
                    acc.at[pl.ds(sid * ROWS_PT, ROWS_PT)])
    pltpu.sync_copy(src_hbm.at[sid], src_v)
    pltpu.sync_copy(dst_hbm.at[sid], dst_v)
    plsc.subcore_barrier()

    def gather(j):
      return pltpu.make_async_copy(
          table_hbm.at[cid].at[src_v.at[j]], buf.at[lax.rem(j, NBUF)], gsem)

    def scat(j):
      return pltpu.make_async_copy(
          buf.at[lax.rem(j, NBUF)], acc.at[dst_v.at[j]], ssem)

    for b in range(NBUF - 1):
      gather(b).start()

    def body(j, carry):
      gather(j).wait()
      scat(j).start(add=True)

      @pl.when(j >= 1)
      def _():
        scat(j - 1).wait()

      @pl.when(j + NBUF - 1 < NCHUNK1)
      def _():
        gather(j + NBUF - 1).start()

      return carry

    lax.fori_loop(0, NCHUNK1, body, 0, unroll=False)
    scat(NCHUNK1 - 1).wait()
    plsc.subcore_barrier()
    pltpu.sync_copy(acc.at[pl.ds(sid * ROWS_PT, ROWS_PT)],
                    out_hbm.at[cid, pl.ds(sid * ROWS_PT, ROWS_PT)])

  return sc_scatter1


def _make_sc_scatter_l2():
  mesh = plsc.VectorSubcoreMesh(core_axis_name="c", subcore_axis_name="s")

  @functools.partial(
      pl.kernel,
      out_type=jax.ShapeDtypeStruct((NC, N, OUT_DIM), jnp.float32),
      mesh=mesh,
      compiler_params=pltpu.CompilerParams(use_tc_tiling_on_sc=False,
                                           skip_device_barrier=True),
      scratch_types=[
          pltpu.VMEM((NCHUNK, CH), jnp.int32),
          pltpu.VMEM((NCHUNK, CH), jnp.int32),
          pltpu.VMEM((NBUF, CH, OUT_DIM), jnp.float32),
          pltpu.VMEM_SHARED((N, OUT_DIM), jnp.float32),
          pltpu.SemaphoreType.DMA,
          pltpu.SemaphoreType.DMA,
      ],
  )
  def sc_scatter2(table_hbm, src_hbm, dst_hbm, zeros_hbm, out_hbm,
                  src_v, dst_v, buf, acc, gsem, ssem):
    cid = lax.axis_index("c")
    sid = lax.axis_index("s")
    wid = sid * NC + cid

    pltpu.sync_copy(zeros_hbm.at[pl.ds(sid * ROWS_PT, ROWS_PT)],
                    acc.at[pl.ds(sid * ROWS_PT, ROWS_PT)])
    pltpu.sync_copy(src_hbm.at[wid], src_v)
    pltpu.sync_copy(dst_hbm.at[wid], dst_v)
    plsc.subcore_barrier()

    def gather(j):
      return pltpu.make_async_copy(
          table_hbm.at[src_v.at[j]], buf.at[lax.rem(j, NBUF)], gsem)

    def scat(j):
      return pltpu.make_async_copy(
          buf.at[lax.rem(j, NBUF)], acc.at[dst_v.at[j]], ssem)

    for b in range(NBUF - 1):
      gather(b).start()

    def body(j, carry):
      gather(j).wait()
      scat(j).start(add=True)

      @pl.when(j >= 1)
      def _():
        scat(j - 1).wait()

      @pl.when(j + NBUF - 1 < NCHUNK)
      def _():
        gather(j + NBUF - 1).start()

      return carry

    lax.fori_loop(0, NCHUNK, body, 0, unroll=False)
    scat(NCHUNK - 1).wait()
    plsc.subcore_barrier()
    pltpu.sync_copy(acc.at[pl.ds(sid * ROWS_PT, ROWS_PT)],
                    out_hbm.at[cid, pl.ds(sid * ROWS_PT, ROWS_PT)])

  return sc_scatter2


DEG_W = 16


def _make_sc_degree():
  mesh = plsc.VectorSubcoreMesh(core_axis_name="c", subcore_axis_name="s")

  @functools.partial(
      pl.kernel,
      out_type=jax.ShapeDtypeStruct((NC, N, DEG_W), jnp.float32),
      mesh=mesh,
      compiler_params=pltpu.CompilerParams(use_tc_tiling_on_sc=False,
                                           skip_device_barrier=True),
      scratch_types=[
          pltpu.VMEM((NCHUNK, CH), jnp.int32),
          pltpu.VMEM((CH, DEG_W), jnp.float32),
          pltpu.VMEM_SHARED((N, DEG_W), jnp.float32),
          pltpu.SemaphoreType.DMA,
      ],
  )
  def sc_degree(ones_hbm, dst_hbm, zeros_hbm, out_hbm, dst_v, buf, acc, sem):
    cid = lax.axis_index("c")
    sid = lax.axis_index("s")
    wid = sid * NC + cid

    pltpu.sync_copy(zeros_hbm.at[pl.ds(sid * ROWS_PT, ROWS_PT)],
                    acc.at[pl.ds(sid * ROWS_PT, ROWS_PT)])
    pltpu.sync_copy(dst_hbm.at[wid], dst_v)
    pltpu.sync_copy(ones_hbm, buf)
    plsc.subcore_barrier()

    def scat(j):
      return pltpu.make_async_copy(buf, acc.at[dst_v.at[j]], sem)

    def body(j, carry):
      scat(j).start(add=True)

      @pl.when(j >= 1)
      def _():
        scat(j - 1).wait()

      return carry

    lax.fori_loop(0, NCHUNK, body, 0, unroll=False)
    scat(NCHUNK - 1).wait()
    plsc.subcore_barrier()
    pltpu.sync_copy(acc.at[pl.ds(sid * ROWS_PT, ROWS_PT)],
                    out_hbm.at[cid, pl.ds(sid * ROWS_PT, ROWS_PT)])

  return sc_degree


_ROW_BLK = 2000
_GRID = N // _ROW_BLK


def _dis_from_degp(degp_blk):
  deg = degp_blk[0, :, 0:1] + degp_blk[1, :, 0:1] + 1.0
  return lax.rsqrt(deg)


def _tc_matmul1(x_ref, w1_ref, h_ref):
  h_ref[...] = jnp.dot(x_ref[...], w1_ref[...],
                       preferred_element_type=jnp.float32)


def _tc_scale1(h_ref, degp_ref, g1_ref):
  dis = _dis_from_degp(degp_ref[...])
  g = h_ref[...] * dis
  g1_ref[0] = g[:, :HALF]
  g1_ref[1] = g[:, HALF:]


def _tc_stage2(s1_ref, g1_ref, degp_ref, b1_ref, w2_ref, g2_ref):
  dis = _dis_from_degp(degp_ref[...])
  t0 = dis * (s1_ref[0] + g1_ref[0]) + b1_ref[0]
  t1 = dis * (s1_ref[1] + g1_ref[1]) + b1_ref[1]
  out1 = jnp.concatenate([t0, t1], axis=1)
  u = _SELU_SCALE * jnp.where(
      out1 > 0, out1, _SELU_ALPHA * (jnp.exp(out1) - 1.0))
  m = jnp.dot(u, w2_ref[...], preferred_element_type=jnp.float32)
  g2_ref[...] = m * dis


def _tc_stage3(s2_ref, g2_ref, degp_ref, b2_ref, out_ref):
  dis = _dis_from_degp(degp_ref[...])
  s = s2_ref[0] + s2_ref[1]
  out_ref[...] = dis * (s + g2_ref[...]) + b2_ref[...]


def _row_spec(d):
  return pl.BlockSpec((_ROW_BLK, d), lambda i: (i, 0))


def _half_spec():
  return pl.BlockSpec((NC, _ROW_BLK, HALF), lambda i: (0, i, 0))


_DEGP_SPEC = pl.BlockSpec((NC, _ROW_BLK, DEG_W), lambda i: (0, i, 0))


def _full_spec(shape):
  nd = len(shape)
  return pl.BlockSpec(shape, lambda i: (0,) * nd)


def kernel(x, edge_index, W1, b1, W2, b2):
  src32 = edge_index[0].astype(jnp.int32)
  dst32 = edge_index[1].astype(jnp.int32)
  src_w = src32.reshape(NW, NCHUNK, CH)
  dst_w = dst32.reshape(NW, NCHUNK, CH)
  src_s = src32.reshape(NS, NCHUNK1, CH)
  dst_s = dst32.reshape(NS, NCHUNK1, CH)

  ones_ch = jnp.ones((CH, DEG_W), jnp.float32)
  zeros_deg = jnp.zeros((N, DEG_W), jnp.float32)
  zeros_half = jnp.zeros((N, HALF), jnp.float32)
  zeros_out = jnp.zeros((N, OUT_DIM), jnp.float32)

  _tc_params = pltpu.CompilerParams(skip_device_barrier=True)
  h = pl.pallas_call(
      _tc_matmul1,
      grid=(_GRID,),
      compiler_params=_tc_params,
      in_specs=[_row_spec(IN_DIM), _full_spec((IN_DIM, HID_DIM))],
      out_specs=_row_spec(HID_DIM),
      out_shape=jax.ShapeDtypeStruct((N, HID_DIM), jnp.float32),
  )(x, W1)

  degp = _make_sc_degree()(ones_ch, dst_w, zeros_deg)

  g1 = pl.pallas_call(
      _tc_scale1,
      grid=(_GRID,),
      compiler_params=_tc_params,
      in_specs=[_row_spec(HID_DIM), _DEGP_SPEC],
      out_specs=_half_spec(),
      out_shape=jax.ShapeDtypeStruct((NC, N, HALF), jnp.float32),
  )(h, degp)

  s1 = _make_sc_scatter_l1()(g1, src_s, dst_s, zeros_half)

  g2 = pl.pallas_call(
      _tc_stage2,
      grid=(_GRID,),
      compiler_params=_tc_params,
      in_specs=[_half_spec(), _half_spec(), _DEGP_SPEC,
                _full_spec((NC, 1, HALF)), _full_spec((HID_DIM, OUT_DIM))],
      out_specs=_row_spec(OUT_DIM),
      out_shape=jax.ShapeDtypeStruct((N, OUT_DIM), jnp.float32),
  )(s1, g1, degp, b1.reshape(NC, 1, HALF), W2)

  s2 = _make_sc_scatter_l2()(g2, src_w, dst_w, zeros_out)

  out = pl.pallas_call(
      _tc_stage3,
      grid=(_GRID,),
      compiler_params=_tc_params,
      in_specs=[pl.BlockSpec((NC, _ROW_BLK, OUT_DIM), lambda i: (0, i, 0)),
                _row_spec(OUT_DIM), _DEGP_SPEC, _full_spec((1, OUT_DIM))],
      out_specs=_row_spec(OUT_DIM),
      out_shape=jax.ShapeDtypeStruct((N, OUT_DIM), jnp.float32),
  )(s2, g2, degp, b2.reshape(1, OUT_DIM))

  return out

# --- scband reference (transcript-rebuilt; emitter-appended) ---
"""Pipeline reference for scband-graph-encoder-25374666785386 (READ-ONLY COPY).

The authoritative reference and input builder live on the scoring server;
editing this copy changes nothing except your own understanding.
"""

import jax, jax.numpy as jnp
import numpy as np

N_NODES = 10000
IN_DIM = 128
HID_DIM = 128
OUT_DIM = 64
N_EDGES = 320000


def _glorot(key, shape):
    fan_in, fan_out = shape[0], shape[1]
    limit = jnp.sqrt(6.0 / (fan_in + fan_out))
    return jax.random.uniform(key, shape, minval=-limit, maxval=limit, dtype=jnp.float32)


def setup_inputs(seed: int = 0) -> dict:
    key = jax.random.key(seed)
    k_x, k_e, k_w1, k_w2 = jax.random.split(key, 4)
    x = jax.random.normal(k_x, (N_NODES, IN_DIM), dtype=jnp.float32)
    edge_index = jax.random.randint(k_e, (2, N_EDGES), 0, N_NODES, dtype=jnp.int64)
    W1 = _glorot(k_w1, (IN_DIM, HID_DIM))
    b1 = jnp.zeros((HID_DIM,), dtype=jnp.float32)
    W2 = _glorot(k_w2, (HID_DIM, OUT_DIM))
    b2 = jnp.zeros((OUT_DIM,), dtype=jnp.float32)
    return {"x": x, "edge_index": edge_index, "W1": W1, "b1": b1, "W2": W2, "b2": b2}


def gcn_conv(x, edge_index, W, b, num_nodes):
    # x' = D^{-1/2} (A + I) D^{-1/2} X W + b  (PyG GCNConv with normalize=True)
    h = x @ W
    src = edge_index[0]
    dst = edge_index[1]
    loop = jnp.arange(num_nodes, dtype=src.dtype)
    src = jnp.concatenate([src, loop])
    dst = jnp.concatenate([dst, loop])
    ew = jnp.ones(src.shape[0], dtype=h.dtype)
    deg = jnp.zeros((num_nodes,), dtype=h.dtype).at[dst].add(ew)
    deg_inv_sqrt = jnp.where(deg > 0, jax.lax.rsqrt(jnp.maximum(deg, 1e-12)), 0.0)
    norm = deg_inv_sqrt[src] * ew * deg_inv_sqrt[dst]
    msg = h[src] * norm[:, None]
    out = jnp.zeros((num_nodes, h.shape[1]), dtype=h.dtype).at[dst].add(msg)
    return out + b


def reference(x, edge_index, W1, b1, W2, b2):
    # GraphEncoder.forward (eval mode: dropout p=0.0 is a no-op; variational=False)
    h = gcn_conv(x, edge_index, W1, b1, N_NODES)
    h = jax.nn.selu(h)
    out = gcn_conv(h, edge_index, W2, b2, N_NODES)
    return out

if __name__ == "__main__":
    import jax
    _d = setup_inputs()
    print(jax.jit(kernel)(*tuple(_d.values())))

</pallas_src>

<mosaic_0001>
#map = affine_map<(d0, d1) -> (0, 0)>
#map1 = affine_map<(d0, d1) -> (0, 0, 0)>
module attributes {stable_mosaic.version = 14 : i64} {
  func.func @sc_scatter2(%arg0: i32, %arg1: i32, %arg2: memref<10000x64xf32, #tpu.memory_space<hbm>>, %arg3: memref<32x80x125xi32, #tpu.memory_space<hbm>>, %arg4: memref<32x80x125xi32, #tpu.memory_space<hbm>>, %arg5: memref<10000x64xf32, #tpu.memory_space<hbm>>, %arg6: memref<2x10000x64xf32, #tpu.memory_space<hbm>>, %arg7: memref<80x125xi32, #tpu.memory_space<vmem>>, %arg8: memref<80x125xi32, #tpu.memory_space<vmem>>, %arg9: memref<4x125x64xf32, #tpu.memory_space<vmem>>, %arg10: memref<10000x64xf32, #tpu.memory_space<vmem_shared>>, %arg11: memref<!tpu.dma_semaphore, #tpu.memory_space<semaphore_mem>>, %arg12: memref<!tpu.dma_semaphore, #tpu.memory_space<semaphore_mem>>) attributes {dimension_semantics = [#tpu.dimension_semantics<core_parallel>, #tpu.dimension_semantics<subcore_parallel>], iteration_bounds = array<i64: 2, 16>, scalar_prefetch = 0 : i64, scratch_operands = 6 : i64, tpu.core_type = #tpu.core_type<sc_vector_subcore>, window_params = [{transform_indices = #map}, {transform_indices = #map1}, {transform_indices = #map1}, {transform_indices = #map}, {transform_indices = #map1}]} {
    %mul3A = arith.constant 2 : i32
    %mul3A_0 = arith.muli %arg1, %mul3A : i32
    %add3A = arith.addi %mul3A_0, %arg0 : i32
    %mul3A_1 = arith.constant 625 : i32
    %mul3A_2 = arith.muli %arg1, %mul3A_1 : i32
    %mul3A_3 = arith.constant 625 : i32
    %mul3A_4 = arith.muli %arg1, %mul3A_3 : i32
    "tpu.region"() ({
      %run_scoped3A = tpu.sem_alloc : memref<!tpu.dma_semaphore, #tpu.memory_space<semaphore_mem>>
      %dma_start3A_68 = arith.constant 0 : i32
      %dma_start3A_69 = tpu.memref_slice %arg10[%mul3A_4, %dma_start3A_68] : memref<10000x64xf32, #tpu.memory_space<vmem_shared>> -> memref<625x64xf32, #tpu.memory_space<vmem_shared>>
      %dma_start3A_70 = arith.constant 0 : i32
      %dma_start3A_71 = tpu.memref_slice %arg5[%mul3A_2, %dma_start3A_70] : memref<10000x64xf32, #tpu.memory_space<hbm>> -> memref<625x64xf32, #tpu.memory_space<hbm>>
      tpu.enqueue_dma source(%dma_start3A_71 : memref<625x64xf32, #tpu.memory_space<hbm>>) target(%dma_start3A_69 : memref<625x64xf32, #tpu.memory_space<vmem_shared>>) target_semaphore(%run_scoped3A : memref<!tpu.dma_semaphore, #tpu.memory_space<semaphore_mem>>)
      %dma_wait3A_72 = arith.constant 0 : i32
      %dma_wait3A_73 = tpu.memref_slice %arg10[%mul3A_4, %dma_wait3A_72] : memref<10000x64xf32, #tpu.memory_space<vmem_shared>> -> memref<625x64xf32, #tpu.memory_space<vmem_shared>>
      %dma_wait3A_74 = arith.constant 0 : i32
      %dma_wait3A_75 = tpu.memref_slice %arg5[%mul3A_2, %dma_wait3A_74] : memref<10000x64xf32, #tpu.memory_space<hbm>> -> memref<625x64xf32, #tpu.memory_space<hbm>>
      tpu.wait_dma2 semaphore(%run_scoped3A : memref<!tpu.dma_semaphore, #tpu.memory_space<semaphore_mem>>) src(%dma_wait3A_75 : memref<625x64xf32, #tpu.memory_space<hbm>>) dst(%dma_wait3A_73 : memref<625x64xf32, #tpu.memory_space<vmem_shared>>)
      tpu.yield
    }) : () -> ()
    "tpu.region"() ({
      %run_scoped3A = tpu.sem_alloc : memref<!tpu.dma_semaphore, #tpu.memory_space<semaphore_mem>>
      %dma_start3A_68 = arith.constant 0 : i32
      %dma_start3A_69 = arith.constant 0 : i32
      %dma_start3A_70 = tpu.memref_slice %arg3[%add3A, %dma_start3A_68, %dma_start3A_69] : memref<32x80x125xi32, #tpu.memory_space<hbm>> -> memref<1x80x125xi32, #tpu.memory_space<hbm>>
      %dma_start3A_71 = tpu.memref_squeeze %dma_start3A_70 : memref<1x80x125xi32, #tpu.memory_space<hbm>> -> memref<80x125xi32, #tpu.memory_space<hbm>>
      %dma_start3A_72 = arith.constant 0 : i32
      %dma_start3A_73 = arith.constant 0 : i32
      %dma_start3A_74 = tpu.memref_slice %arg3[%add3A, %dma_start3A_72, %dma_start3A_73] : memref<32x80x125xi32, #tpu.memory_space<hbm>> -> memref<1x80x125xi32, #tpu.memory_space<hbm>>
      %dma_start3A_75 = tpu.memref_squeeze %dma_start3A_74 : memref<1x80x125xi32, #tpu.memory_space<hbm>> -> memref<80x125xi32, #tpu.memory_space<hbm>>
      tpu.enqueue_dma source(%dma_start3A_75 : memref<80x125xi32, #tpu.memory_space<hbm>>) target(%arg7 : memref<80x125xi32, #tpu.memory_space<vmem>>) target_semaphore(%run_scoped3A : memref<!tpu.dma_semaphore, #tpu.memory_space<semaphore_mem>>)
      %dma_wait3A_76 = arith.constant 0 : i32
      %dma_wait3A_77 = arith.constant 0 : i32
      %dma_wait3A_78 = tpu.memref_slice %arg3[%add3A, %dma_wait3A_76, %dma_wait3A_77] : memref<32x80x125xi32, #tpu.memory_space<hbm>> -> memref<1x80x125xi32, #tpu.memory_space<hbm>>
      %dma_wait3A_79 = tpu.memref_squeeze %dma_wait3A_78 : memref<1x80x125xi32, #tpu.memory_space<hbm>> -> memref<80x125xi32, #tpu.memory_space<hbm>>
      %dma_wait3A_80 = arith.constant 0 : i32
      %dma_wait3A_81 = arith.constant 0 : i32
      %dma_wait3A_82 = tpu.memref_slice %arg3[%add3A, %dma_wait3A_80, %dma_wait3A_81] : memref<32x80x125xi32, #tpu.memory_space<hbm>> -> memref<1x80x125xi32, #tpu.memory_space<hbm>>
      %dma_wait3A_83 = tpu.memref_squeeze %dma_wait3A_82 : memref<1x80x125xi32, #tpu.memory_space<hbm>> -> memref<80x125xi32, #tpu.memory_space<hbm>>
      tpu.wait_dma2 semaphore(%run_scoped3A : memref<!tpu.dma_semaphore, #tpu.memory_space<semaphore_mem>>) src(%dma_wait3A_83 : memref<80x125xi32, #tpu.memory_space<hbm>>) dst(%arg7 : memref<80x125xi32, #tpu.memory_space<vmem>>)
      tpu.yield
    }) : () -> ()
    "tpu.region"() ({
      %run_scoped3A = tpu.sem_alloc : memref<!tpu.dma_semaphore, #tpu.memory_space<semaphore_mem>>
      %dma_start3A_68 = arith.constant 0 : i32
      %dma_start3A_69 = arith.constant 0 : i32
      %dma_start3A_70 = tpu.memref_slice %arg4[%add3A, %dma_start3A_68, %dma_start3A_69] : memref<32x80x125xi32, #tpu.memory_space<hbm>> -> memref<1x80x125xi32, #tpu.memory_space<hbm>>
      %dma_start3A_71 = tpu.memref_squeeze %dma_start3A_70 : memref<1x80x125xi32, #tpu.memory_space<hbm>> -> memref<80x125xi32, #tpu.memory_space<hbm>>
      %dma_start3A_72 = arith.constant 0 : i32
      %dma_start3A_73 = arith.constant 0 : i32
      %dma_start3A_74 = tpu.memref_slice %arg4[%add3A, %dma_start3A_72, %dma_start3A_73] : memref<32x80x125xi32, #tpu.memory_space<hbm>> -> memref<1x80x125xi32, #tpu.memory_space<hbm>>
      %dma_start3A_75 = tpu.memref_squeeze %dma_start3A_74 : memref<1x80x125xi32, #tpu.memory_space<hbm>> -> memref<80x125xi32, #tpu.memory_space<hbm>>
      tpu.enqueue_dma source(%dma_start3A_75 : memref<80x125xi32, #tpu.memory_space<hbm>>) target(%arg8 : memref<80x125xi32, #tpu.memory_space<vmem>>) target_semaphore(%run_scoped3A : memref<!tpu.dma_semaphore, #tpu.memory_space<semaphore_mem>>)
      %dma_wait3A_76 = arith.constant 0 : i32
      %dma_wait3A_77 = arith.constant 0 : i32
      %dma_wait3A_78 = tpu.memref_slice %arg4[%add3A, %dma_wait3A_76, %dma_wait3A_77] : memref<32x80x125xi32, #tpu.memory_space<hbm>> -> memref<1x80x125xi32, #tpu.memory_space<hbm>>
      %dma_wait3A_79 = tpu.memref_squeeze %dma_wait3A_78 : memref<1x80x125xi32, #tpu.memory_space<hbm>> -> memref<80x125xi32, #tpu.memory_space<hbm>>
      %dma_wait3A_80 = arith.constant 0 : i32
      %dma_wait3A_81 = arith.constant 0 : i32
      %dma_wait3A_82 = tpu.memref_slice %arg4[%add3A, %dma_wait3A_80, %dma_wait3A_81] : memref<32x80x125xi32, #tpu.memory_space<hbm>> -> memref<1x80x125xi32, #tpu.memory_space<hbm>>
      %dma_wait3A_83 = tpu.memref_squeeze %dma_wait3A_82 : memref<1x80x125xi32, #tpu.memory_space<hbm>> -> memref<80x125xi32, #tpu.memory_space<hbm>>
      tpu.wait_dma2 semaphore(%run_scoped3A : memref<!tpu.dma_semaphore, #tpu.memory_space<semaphore_mem>>) src(%dma_wait3A_83 : memref<80x125xi32, #tpu.memory_space<hbm>>) dst(%arg8 : memref<80x125xi32, #tpu.memory_space<vmem>>)
      tpu.yield
    }) : () -> ()
    %barrier3A = arith.constant 0 : index
    tpu.barrier barrier_id(%barrier3A)
    %rem3A = arith.constant 0 : i32
    %rem3A_5 = arith.constant 4 : i32
    %rem3A_6 = arith.remsi %rem3A, %rem3A_5 : i32
    %dma_start3A = arith.constant 0 : i32
    %dma_start3A_7 = arith.constant 0 : i32
    %dma_start3A_8 = arith.constant 0 : i32
    %dma_start3A_9 = tpu.memref_slice %arg9[%rem3A_6, %dma_start3A_7, %dma_start3A_8] : memref<4x125x64xf32, #tpu.memory_space<vmem>> -> memref<1x125x64xf32, #tpu.memory_space<vmem>>
    %dma_start3A_10 = tpu.memref_squeeze %dma_start3A_9 : memref<1x125x64xf32, #tpu.memory_space<vmem>> -> memref<125x64xf32, #tpu.memory_space<vmem>>
    %dma_start3A_11 = arith.constant 0 : i32
    %dma_start3A_12 = tpu.memref_slice %arg7[%dma_start3A, %dma_start3A_11] : memref<80x125xi32, #tpu.memory_space<vmem>> -> memref<1x125xi32, #tpu.memory_space<vmem>>
    %dma_start3A_13 = tpu.memref_squeeze %dma_start3A_12 : memref<1x125xi32, #tpu.memory_space<vmem>> -> memref<125xi32, #tpu.memory_space<vmem>>
    %dma_start3A_14 = arith.constant 0 : i32
    %dma_start3A_15 = arith.constant 0 : i32
    %dma_start3A_16 = tpu.memref_slice %arg2[%dma_start3A_14, %dma_start3A_15] : memref<10000x64xf32, #tpu.memory_space<hbm>> -> memref<10000x64xf32, #tpu.memory_space<hbm>>
    tpu.enqueue_indirect_dma source(%dma_start3A_16 : memref<10000x64xf32, #tpu.memory_space<hbm>>) target(%dma_start3A_10 : memref<125x64xf32, #tpu.memory_space<vmem>>) offsets(%dma_start3A_13 : memref<125xi32, #tpu.memory_space<vmem>>) semaphore(%arg11 : memref<!tpu.dma_semaphore, #tpu.memory_space<semaphore_mem>>)
    %rem3A_17 = arith.constant 1 : i32
    %rem3A_18 = arith.constant 4 : i32
    %rem3A_19 = arith.remsi %rem3A_17, %rem3A_18 : i32
    %dma_start3A_20 = arith.constant 1 : i32
    %dma_start3A_21 = arith.constant 0 : i32
    %dma_start3A_22 = arith.constant 0 : i32
    %dma_start3A_23 = tpu.memref_slice %arg9[%rem3A_19, %dma_start3A_21, %dma_start3A_22] : memref<4x125x64xf32, #tpu.memory_space<vmem>> -> memref<1x125x64xf32, #tpu.memory_space<vmem>>
    %dma_start3A_24 = tpu.memref_squeeze %dma_start3A_23 : memref<1x125x64xf32, #tpu.memory_space<vmem>> -> memref<125x64xf32, #tpu.memory_space<vmem>>
    %dma_start3A_25 = arith.constant 0 : i32
    %dma_start3A_26 = tpu.memref_slice %arg7[%dma_start3A_20, %dma_start3A_25] : memref<80x125xi32, #tpu.memory_space<vmem>> -> memref<1x125xi32, #tpu.memory_space<vmem>>
    %dma_start3A_27 = tpu.memref_squeeze %dma_start3A_26 : memref<1x125xi32, #tpu.memory_space<vmem>> -> memref<125xi32, #tpu.memory_space<vmem>>
    %dma_start3A_28 = arith.constant 0 : i32
    %dma_start3A_29 = arith.constant 0 : i32
    %dma_start3A_30 = tpu.memref_slice %arg2[%dma_start3A_28, %dma_start3A_29] : memref<10000x64xf32, #tpu.memory_space<hbm>> -> memref<10000x64xf32, #tpu.memory_space<hbm>>
    tpu.enqueue_indirect_dma source(%dma_start3A_30 : memref<10000x64xf32, #tpu.memory_space<hbm>>) target(%dma_start3A_24 : memref<125x64xf32, #tpu.memory_space<vmem>>) offsets(%dma_start3A_27 : memref<125xi32, #tpu.memory_space<vmem>>) semaphore(%arg11 : memref<!tpu.dma_semaphore, #tpu.memory_space<semaphore_mem>>)
    %rem3A_31 = arith.constant 2 : i32
    %rem3A_32 = arith.constant 4 : i32
    %rem3A_33 = arith.remsi %rem3A_31, %rem3A_32 : i32
    %dma_start3A_34 = arith.constant 2 : i32
    %dma_start3A_35 = arith.constant 0 : i32
    %dma_start3A_36 = arith.constant 0 : i32
    %dma_start3A_37 = tpu.memref_slice %arg9[%rem3A_33, %dma_start3A_35, %dma_start3A_36] : memref<4x125x64xf32, #tpu.memory_space<vmem>> -> memref<1x125x64xf32, #tpu.memory_space<vmem>>
    %dma_start3A_38 = tpu.memref_squeeze %dma_start3A_37 : memref<1x125x64xf32, #tpu.memory_space<vmem>> -> memref<125x64xf32, #tpu.memory_space<vmem>>
    %dma_start3A_39 = arith.constant 0 : i32
    %dma_start3A_40 = tpu.memref_slice %arg7[%dma_start3A_34, %dma_start3A_39] : memref<80x125xi32, #tpu.memory_space<vmem>> -> memref<1x125xi32, #tpu.memory_space<vmem>>
    %dma_start3A_41 = tpu.memref_squeeze %dma_start3A_40 : memref<1x125xi32, #tpu.memory_space<vmem>> -> memref<125xi32, #tpu.memory_space<vmem>>
    %dma_start3A_42 = arith.constant 0 : i32
    %dma_start3A_43 = arith.constant 0 : i32
    %dma_start3A_44 = tpu.memref_slice %arg2[%dma_start3A_42, %dma_start3A_43] : memref<10000x64xf32, #tpu.memory_space<hbm>> -> memref<10000x64xf32, #tpu.memory_space<hbm>>
    tpu.enqueue_indirect_dma source(%dma_start3A_44 : memref<10000x64xf32, #tpu.memory_space<hbm>>) target(%dma_start3A_38 : memref<125x64xf32, #tpu.memory_space<vmem>>) offsets(%dma_start3A_41 : memref<125xi32, #tpu.memory_space<vmem>>) semaphore(%arg11 : memref<!tpu.dma_semaphore, #tpu.memory_space<semaphore_mem>>)
    %scan3A = arith.constant 0 : i32
    %scan3A_45 = arith.constant 0 : i32
    %scan3A_46 = arith.constant 80 : i32
    %scan3A_47 = arith.addi %scan3A_45, %scan3A_46 : i32
    %scan3A_48 = arith.constant 1 : i32
    scf.for %scan3A_68 = %scan3A_45 to %scan3A_47 step %scan3A_48  : i32 {
      %rem3A_69 = arith.constant 4 : i32
      %rem3A_70 = arith.remsi %scan3A_68, %rem3A_69 : i32
      %dma_wait3A_71 = arith.constant 0 : i32
      %dma_wait3A_72 = arith.constant 0 : i32
      %dma_wait3A_73 = tpu.memref_slice %arg9[%rem3A_70, %dma_wait3A_71, %dma_wait3A_72] : memref<4x125x64xf32, #tpu.memory_space<vmem>> -> memref<1x125x64xf32, #tpu.memory_space<vmem>>
      %dma_wait3A_74 = tpu.memref_squeeze %dma_wait3A_73 : memref<1x125x64xf32, #tpu.memory_space<vmem>> -> memref<125x64xf32, #tpu.memory_space<vmem>>
      %dma_wait3A_75 = arith.constant 0 : i32
      %dma_wait3A_76 = tpu.memref_slice %arg7[%scan3A_68, %dma_wait3A_75] : memref<80x125xi32, #tpu.memory_space<vmem>> -> memref<1x125xi32, #tpu.memory_space<vmem>>
      %dma_wait3A_77 = tpu.memref_squeeze %dma_wait3A_76 : memref<1x125xi32, #tpu.memory_space<vmem>> -> memref<125xi32, #tpu.memory_space<vmem>>
      %dma_wait3A_78 = arith.constant 0 : i32
      %dma_wait3A_79 = arith.constant 0 : i32
      %dma_wait3A_80 = tpu.memref_slice %arg2[%dma_wait3A_78, %dma_wait3A_79] : memref<10000x64xf32, #tpu.memory_space<hbm>> -> memref<10000x64xf32, #tpu.memory_space<hbm>>
      tpu.wait_indirect_dma semaphore(%arg11 : memref<!tpu.dma_semaphore, #tpu.memory_space<semaphore_mem>>) src(%dma_wait3A_80 : memref<10000x64xf32, #tpu.memory_space<hbm>>) dst(%dma_wait3A_74 : memref<125x64xf32, #tpu.memory_space<vmem>>)
      %rem3A_81 = arith.constant 4 : i32
      %rem3A_82 = arith.remsi %scan3A_68, %rem3A_81 : i32
      %dma_start3A_83 = arith.constant 0 : i32
      %dma_start3A_84 = arith.constant 0 : i32
      %dma_start3A_85 = tpu.memref_slice %arg9[%rem3A_82, %dma_start3A_83, %dma_start3A_84] : memref<4x125x64xf32, #tpu.memory_space<vmem>> -> memref<1x125x64xf32, #tpu.memory_space<vmem>>
      %dma_start3A_86 = tpu.memref_squeeze %dma_start3A_85 : memref<1x125x64xf32, #tpu.memory_space<vmem>> -> memref<125x64xf32, #tpu.memory_space<vmem>>
      %dma_start3A_87 = arith.constant 0 : i32
      %dma_start3A_88 = tpu.memref_slice %arg8[%scan3A_68, %dma_start3A_87] : memref<80x125xi32, #tpu.memory_space<vmem>> -> memref<1x125xi32, #tpu.memory_space<vmem>>
      %dma_start3A_89 = tpu.memref_squeeze %dma_start3A_88 : memref<1x125xi32, #tpu.memory_space<vmem>> -> memref<125xi32, #tpu.memory_space<vmem>>
      %dma_start3A_90 = arith.constant 0 : i32
      %dma_start3A_91 = arith.constant 0 : i32
      %dma_start3A_92 = tpu.memref_slice %arg10[%dma_start3A_90, %dma_start3A_91] : memref<10000x64xf32, #tpu.memory_space<vmem_shared>> -> memref<10000x64xf32, #tpu.memory_space<vmem_shared>>
      tpu.enqueue_indirect_dma source(%dma_start3A_86 : memref<125x64xf32, #tpu.memory_space<vmem>>) target(%dma_start3A_92 : memref<10000x64xf32, #tpu.memory_space<vmem_shared>>) offsets(%dma_start3A_89 : memref<125xi32, #tpu.memory_space<vmem>>) semaphore(%arg12 : memref<!tpu.dma_semaphore, #tpu.memory_space<semaphore_mem>>) {add = true}
      %ge3A = arith.constant 1 : i32
      %ge3A_93 = arith.cmpi sge, %scan3A_68, %ge3A : i32
      %convert_element_type3A = arith.extui %ge3A_93 : i1 to i32
      %cond3A = arith.constant 0 : i32
      %cond3A_94 = arith.cmpi ne, %convert_element_type3A, %cond3A : i32
      scf.if %cond3A_94 {
        %sub3A_102 = arith.constant 1 : i32
        %sub3A_103 = arith.subi %scan3A_68, %sub3A_102 : i32
        %rem3A_104 = arith.constant 4 : i32
        %rem3A_105 = arith.remsi %sub3A_103, %rem3A_104 : i32
        %dma_wait3A_106 = arith.constant 0 : i32
        %dma_wait3A_107 = arith.constant 0 : i32
        %dma_wait3A_108 = tpu.memref_slice %arg9[%rem3A_105, %dma_wait3A_106, %dma_wait3A_107] : memref<4x125x64xf32, #tpu.memory_space<vmem>> -> memref<1x125x64xf32, #tpu.memory_space<vmem>>
        %dma_wait3A_109 = tpu.memref_squeeze %dma_wait3A_108 : memref<1x125x64xf32, #tpu.memory_space<vmem>> -> memref<125x64xf32, #tpu.memory_space<vmem>>
        %dma_wait3A_110 = arith.constant 0 : i32
        %dma_wait3A_111 = tpu.memref_slice %arg8[%sub3A_103, %dma_wait3A_110] : memref<80x125xi32, #tpu.memory_space<vmem>> -> memref<1x125xi32, #tpu.memory_space<vmem>>
        %dma_wait3A_112 = tpu.memref_squeeze %dma_wait3A_111 : memref<1x125xi32, #tpu.memory_space<vmem>> -> memref<125xi32, #tpu.memory_space<vmem>>
        %dma_wait3A_113 = arith.constant 0 : i32
        %dma_wait3A_114 = arith.constant 0 : i32
        %dma_wait3A_115 = tpu.memref_slice %arg10[%dma_wait3A_113, %dma_wait3A_114] : memref<10000x64xf32, #tpu.memory_space<vmem_shared>> -> memref<10000x64xf32, #tpu.memory_space<vmem_shared>>
        tpu.wait_indirect_dma semaphore(%arg12 : memref<!tpu.dma_semaphore, #tpu.memory_space<semaphore_mem>>) src(%dma_wait3A_109 : memref<125x64xf32, #tpu.memory_space<vmem>>) dst(%dma_wait3A_115 : memref<10000x64xf32, #tpu.memory_space<vmem_shared>>)
      } else {
      }
      %add3A_95 = arith.constant 4 : i32
      %add3A_96 = arith.addi %scan3A_68, %add3A_95 : i32
      %sub3A = arith.constant 1 : i32
      %sub3A_97 = arith.subi %add3A_96, %sub3A : i32
      %lt3A = arith.constant 80 : i32
      %lt3A_98 = arith.cmpi slt, %sub3A_97, %lt3A : i32
      %convert_element_type3A_99 = arith.extui %lt3A_98 : i1 to i32
      %cond3A_100 = arith.constant 0 : i32
      %cond3A_101 = arith.cmpi ne, %convert_element_type3A_99, %cond3A_100 : i32
      scf.if %cond3A_101 {
        %add3A_102 = arith.constant 4 : i32
        %add3A_103 = arith.addi %scan3A_68, %add3A_102 : i32
        %sub3A_104 = arith.constant 1 : i32
        %sub3A_105 = arith.subi %add3A_103, %sub3A_104 : i32
        %rem3A_106 = arith.constant 4 : i32
        %rem3A_107 = arith.remsi %sub3A_105, %rem3A_106 : i32
        %dma_start3A_108 = arith.constant 0 : i32
        %dma_start3A_109 = arith.constant 0 : i32
        %dma_start3A_110 = tpu.memref_slice %arg9[%rem3A_107, %dma_start3A_108, %dma_start3A_109] : memref<4x125x64xf32, #tpu.memory_space<vmem>> -> memref<1x125x64xf32, #tpu.memory_space<vmem>>
        %dma_start3A_111 = tpu.memref_squeeze %dma_start3A_110 : memref<1x125x64xf32, #tpu.memory_space<vmem>> -> memref<125x64xf32, #tpu.memory_space<vmem>>
        %dma_start3A_112 = arith.constant 0 : i32
        %dma_start3A_113 = tpu.memref_slice %arg7[%sub3A_105, %dma_start3A_112] : memref<80x125xi32, #tpu.memory_space<vmem>> -> memref<1x125xi32, #tpu.memory_space<vmem>>
        %dma_start3A_114 = tpu.memref_squeeze %dma_start3A_113 : memref<1x125xi32, #tpu.memory_space<vmem>> -> memref<125xi32, #tpu.memory_space<vmem>>
        %dma_start3A_115 = arith.constant 0 : i32
        %dma_start3A_116 = arith.constant 0 : i32
        %dma_start3A_117 = tpu.memref_slice %arg2[%dma_start3A_115, %dma_start3A_116] : memref<10000x64xf32, #tpu.memory_space<hbm>> -> memref<10000x64xf32, #tpu.memory_space<hbm>>
        tpu.enqueue_indirect_dma source(%dma_start3A_117 : memref<10000x64xf32, #tpu.memory_space<hbm>>) target(%dma_start3A_111 : memref<125x64xf32, #tpu.memory_space<vmem>>) offsets(%dma_start3A_114 : memref<125xi32, #tpu.memory_space<vmem>>) semaphore(%arg11 : memref<!tpu.dma_semaphore, #tpu.memory_space<semaphore_mem>>)
      } else {
      }
    }
    %scan3A_49 = arith.constant 80 : i32
    %rem3A_50 = arith.constant 79 : i32
    %rem3A_51 = arith.constant 4 : i32
    %rem3A_52 = arith.remsi %rem3A_50, %rem3A_51 : i32
    %dma_wait3A = arith.constant 79 : i32
    %dma_wait3A_53 = arith.constant 0 : i32
    %dma_wait3A_54 = arith.constant 0 : i32
    %dma_wait3A_55 = tpu.memref_slice %arg9[%rem3A_52, %dma_wait3A_53, %dma_wait3A_54] : memref<4x125x64xf32, #tpu.memory_space<vmem>> -> memref<1x125x64xf32, #tpu.memory_space<vmem>>
    %dma_wait3A_56 = tpu.memref_squeeze %dma_wait3A_55 : memref<1x125x64xf32, #tpu.memory_space<vmem>> -> memref<125x64xf32, #tpu.memory_space<vmem>>
    %dma_wait3A_57 = arith.constant 0 : i32
    %dma_wait3A_58 = tpu.memref_slice %arg8[%dma_wait3A, %dma_wait3A_57] : memref<80x125xi32, #tpu.memory_space<vmem>> -> memref<1x125xi32, #tpu.memory_space<vmem>>
    %dma_wait3A_59 = tpu.memref_squeeze %dma_wait3A_58 : memref<1x125xi32, #tpu.memory_space<vmem>> -> memref<125xi32, #tpu.memory_space<vmem>>
    %dma_wait3A_60 = arith.constant 0 : i32
    %dma_wait3A_61 = arith.constant 0 : i32
    %dma_wait3A_62 = tpu.memref_slice %arg10[%dma_wait3A_60, %dma_wait3A_61] : memref<10000x64xf32, #tpu.memory_space<vmem_shared>> -> memref<10000x64xf32, #tpu.memory_space<vmem_shared>>
    tpu.wait_indirect_dma semaphore(%arg12 : memref<!tpu.dma_semaphore, #tpu.memory_space<semaphore_mem>>) src(%dma_wait3A_56 : memref<125x64xf32, #tpu.memory_space<vmem>>) dst(%dma_wait3A_62 : memref<10000x64xf32, #tpu.memory_space<vmem_shared>>)
    %barrier3A_63 = arith.constant 0 : index
    tpu.barrier barrier_id(%barrier3A_63)
    %mul3A_64 = arith.constant 625 : i32
    %mul3A_65 = arith.muli %arg1, %mul3A_64 : i32
    %mul3A_66 = arith.constant 625 : i32
    %mul3A_67 = arith.muli %arg1, %mul3A_66 : i32
    "tpu.region"() ({
      %run_scoped3A = tpu.sem_alloc : memref<!tpu.dma_semaphore, #tpu.memory_space<semaphore_mem>>
      %dma_start3A_68 = arith.constant 0 : i32
      %dma_start3A_69 = tpu.memref_slice %arg6[%arg0, %mul3A_67, %dma_start3A_68] : memref<2x10000x64xf32, #tpu.memory_space<hbm>> -> memref<1x625x64xf32, #tpu.memory_space<hbm>>
      %dma_start3A_70 = tpu.memref_squeeze %dma_start3A_69 : memref<1x625x64xf32, #tpu.memory_space<hbm>> -> memref<625x64xf32, #tpu.memory_space<hbm>>
      %dma_start3A_71 = arith.constant 0 : i32
      %dma_start3A_72 = tpu.memref_slice %arg10[%mul3A_65, %dma_start3A_71] : memref<10000x64xf32, #tpu.memory_space<vmem_shared>> -> memref<625x64xf32, #tpu.memory_space<vmem_shared>>
      tpu.enqueue_dma source(%dma_start3A_72 : memref<625x64xf32, #tpu.memory_space<vmem_shared>>) target(%dma_start3A_70 : memref<625x64xf32, #tpu.memory_space<hbm>>) target_semaphore(%run_scoped3A : memref<!tpu.dma_semaphore, #tpu.memory_space<semaphore_mem>>)
      %dma_wait3A_73 = arith.constant 0 : i32
      %dma_wait3A_74 = tpu.memref_slice %arg6[%arg0, %mul3A_67, %dma_wait3A_73] : memref<2x10000x64xf32, #tpu.memory_space<hbm>> -> memref<1x625x64xf32, #tpu.memory_space<hbm>>
      %dma_wait3A_75 = tpu.memref_squeeze %dma_wait3A_74 : memref<1x625x64xf32, #tpu.memory_space<hbm>> -> memref<625x64xf32, #tpu.memory_space<hbm>>
      %dma_wait3A_76 = arith.constant 0 : i32
      %dma_wait3A_77 = tpu.memref_slice %arg10[%mul3A_65, %dma_wait3A_76] : memref<10000x64xf32, #tpu.memory_space<vmem_shared>> -> memref<625x64xf32, #tpu.memory_space<vmem_shared>>
      tpu.wait_dma2 semaphore(%run_scoped3A : memref<!tpu.dma_semaphore, #tpu.memory_space<semaphore_mem>>) src(%dma_wait3A_77 : memref<625x64xf32, #tpu.memory_space<vmem_shared>>) dst(%dma_wait3A_75 : memref<625x64xf32, #tpu.memory_space<hbm>>)
      tpu.yield
    }) : () -> ()
    return
  }
}

#map = affine_map<(d0, d1) -> (0, 0)>
#map1 = affine_map<(d0, d1) -> (0, 0, 0)>
module attributes {stable_mosaic.version = 14 : i64} {
  func.func @sc_degree(%arg0: i32, %arg1: i32, %arg2: memref<125x16xf32, #tpu.memory_space<hbm>>, %arg3: memref<32x80x125xi32, #tpu.memory_space<hbm>>, %arg4: memref<10000x16xf32, #tpu.memory_space<hbm>>, %arg5: memref<2x10000x16xf32, #tpu.memory_space<hbm>>, %arg6: memref<80x125xi32, #tpu.memory_space<vmem>>, %arg7: memref<125x16xf32, #tpu.memory_space<vmem>>, %arg8: memref<10000x16xf32, #tpu.memory_space<vmem_shared>>, %arg9: memref<!tpu.dma_semaphore, #tpu.memory_space<semaphore_mem>>) attributes {dimension_semantics = [#tpu.dimension_semantics<core_parallel>, #tpu.dimension_semantics<subcore_parallel>], iteration_bounds = array<i64: 2, 16>, scalar_prefetch = 0 : i64, scratch_operands = 4 : i64, tpu.core_type = #tpu.core_type<sc_vector_subcore>, window_params = [{transform_indices = #map}, {transform_indices = #map1}, {transform_indices = #map}, {transform_indices = #map1}]} {
    %mul3A = arith.constant 2 : i32
    %mul3A_0 = arith.muli %arg1, %mul3A : i32
    %add3A = arith.addi %mul3A_0, %arg0 : i32
    %mul3A_1 = arith.constant 625 : i32
    %mul3A_2 = arith.muli %arg1, %mul3A_1 : i32
    %mul3A_3 = arith.constant 625 : i32
    %mul3A_4 = arith.muli %arg1, %mul3A_3 : i32
    "tpu.region"() ({
      %run_scoped3A = tpu.sem_alloc : memref<!tpu.dma_semaphore, #tpu.memory_space<semaphore_mem>>
      %dma_start3A = arith.constant 0 : i32
      %dma_start3A_21 = tpu.memref_slice %arg8[%mul3A_4, %dma_start3A] : memref<10000x16xf32, #tpu.memory_space<vmem_shared>> -> memref<625x16xf32, #tpu.memory_space<vmem_shared>>
      %dma_start3A_22 = arith.constant 0 : i32
      %dma_start3A_23 = tpu.memref_slice %arg4[%mul3A_2, %dma_start3A_22] : memref<10000x16xf32, #tpu.memory_space<hbm>> -> memref<625x16xf32, #tpu.memory_space<hbm>>
      tpu.enqueue_dma source(%dma_start3A_23 : memref<625x16xf32, #tpu.memory_space<hbm>>) target(%dma_start3A_21 : memref<625x16xf32, #tpu.memory_space<vmem_shared>>) target_semaphore(%run_scoped3A : memref<!tpu.dma_semaphore, #tpu.memory_space<semaphore_mem>>)
      %dma_wait3A_24 = arith.constant 0 : i32
      %dma_wait3A_25 = tpu.memref_slice %arg8[%mul3A_4, %dma_wait3A_24] : memref<10000x16xf32, #tpu.memory_space<vmem_shared>> -> memref<625x16xf32, #tpu.memory_space<vmem_shared>>
      %dma_wait3A_26 = arith.constant 0 : i32
      %dma_wait3A_27 = tpu.memref_slice %arg4[%mul3A_2, %dma_wait3A_26] : memref<10000x16xf32, #tpu.memory_space<hbm>> -> memref<625x16xf32, #tpu.memory_space<hbm>>
      tpu.wait_dma2 semaphore(%run_scoped3A : memref<!tpu.dma_semaphore, #tpu.memory_space<semaphore_mem>>) src(%dma_wait3A_27 : memref<625x16xf32, #tpu.memory_space<hbm>>) dst(%dma_wait3A_25 : memref<625x16xf32, #tpu.memory_space<vmem_shared>>)
      tpu.yield
    }) : () -> ()
    "tpu.region"() ({
      %run_scoped3A = tpu.sem_alloc : memref<!tpu.dma_semaphore, #tpu.memory_space<semaphore_mem>>
      %dma_start3A = arith.constant 0 : i32
      %dma_start3A_21 = arith.constant 0 : i32
      %dma_start3A_22 = tpu.memref_slice %arg3[%add3A, %dma_start3A, %dma_start3A_21] : memref<32x80x125xi32, #tpu.memory_space<hbm>> -> memref<1x80x125xi32, #tpu.memory_space<hbm>>
      %dma_start3A_23 = tpu.memref_squeeze %dma_start3A_22 : memref<1x80x125xi32, #tpu.memory_space<hbm>> -> memref<80x125xi32, #tpu.memory_space<hbm>>
      %dma_start3A_24 = arith.constant 0 : i32
      %dma_start3A_25 = arith.constant 0 : i32
      %dma_start3A_26 = tpu.memref_slice %arg3[%add3A, %dma_start3A_24, %dma_start3A_25] : memref<32x80x125xi32, #tpu.memory_space<hbm>> -> memref<1x80x125xi32, #tpu.memory_space<hbm>>
      %dma_start3A_27 = tpu.memref_squeeze %dma_start3A_26 : memref<1x80x125xi32, #tpu.memory_space<hbm>> -> memref<80x125xi32, #tpu.memory_space<hbm>>
      tpu.enqueue_dma source(%dma_start3A_27 : memref<80x125xi32, #tpu.memory_space<hbm>>) target(%arg6 : memref<80x125xi32, #tpu.memory_space<vmem>>) target_semaphore(%run_scoped3A : memref<!tpu.dma_semaphore, #tpu.memory_space<semaphore_mem>>)
      %dma_wait3A_28 = arith.constant 0 : i32
      %dma_wait3A_29 = arith.constant 0 : i32
      %dma_wait3A_30 = tpu.memref_slice %arg3[%add3A, %dma_wait3A_28, %dma_wait3A_29] : memref<32x80x125xi32, #tpu.memory_space<hbm>> -> memref<1x80x125xi32, #tpu.memory_space<hbm>>
      %dma_wait3A_31 = tpu.memref_squeeze %dma_wait3A_30 : memref<1x80x125xi32, #tpu.memory_space<hbm>> -> memref<80x125xi32, #tpu.memory_space<hbm>>
      %dma_wait3A_32 = arith.constant 0 : i32
      %dma_wait3A_33 = arith.constant 0 : i32
      %dma_wait3A_34 = tpu.memref_slice %arg3[%add3A, %dma_wait3A_32, %dma_wait3A_33] : memref<32x80x125xi32, #tpu.memory_space<hbm>> -> memref<1x80x125xi32, #tpu.memory_space<hbm>>
      %dma_wait3A_35 = tpu.memref_squeeze %dma_wait3A_34 : memref<1x80x125xi32, #tpu.memory_space<hbm>> -> memref<80x125xi32, #tpu.memory_space<hbm>>
      tpu.wait_dma2 semaphore(%run_scoped3A : memref<!tpu.dma_semaphore, #tpu.memory_space<semaphore_mem>>) src(%dma_wait3A_35 : memref<80x125xi32, #tpu.memory_space<hbm>>) dst(%arg6 : memref<80x125xi32, #tpu.memory_space<vmem>>)
      tpu.yield
    }) : () -> ()
    "tpu.region"() ({
      %run_scoped3A = tpu.sem_alloc : memref<!tpu.dma_semaphore, #tpu.memory_space<semaphore_mem>>
      tpu.enqueue_dma source(%arg2 : memref<125x16xf32, #tpu.memory_space<hbm>>) target(%arg7 : memref<125x16xf32, #tpu.memory_space<vmem>>) target_semaphore(%run_scoped3A : memref<!tpu.dma_semaphore, #tpu.memory_space<semaphore_mem>>)
      tpu.wait_dma2 semaphore(%run_scoped3A : memref<!tpu.dma_semaphore, #tpu.memory_space<semaphore_mem>>) src(%arg2 : memref<125x16xf32, #tpu.memory_space<hbm>>) dst(%arg7 : memref<125x16xf32, #tpu.memory_space<vmem>>)
      tpu.yield
    }) : () -> ()
    %barrier3A = arith.constant 0 : index
    tpu.barrier barrier_id(%barrier3A)
    %scan3A = arith.constant 0 : i32
    %scan3A_5 = arith.constant 0 : i32
    %scan3A_6 = arith.constant 80 : i32
    %scan3A_7 = arith.addi %scan3A_5, %scan3A_6 : i32
    %scan3A_8 = arith.constant 1 : i32
    scf.for %scan3A_21 = %scan3A_5 to %scan3A_7 step %scan3A_8  : i32 {
      %dma_start3A = arith.constant 0 : i32
      %dma_start3A_22 = tpu.memref_slice %arg6[%scan3A_21, %dma_start3A] : memref<80x125xi32, #tpu.memory_space<vmem>> -> memref<1x125xi32, #tpu.memory_space<vmem>>
      %dma_start3A_23 = tpu.memref_squeeze %dma_start3A_22 : memref<1x125xi32, #tpu.memory_space<vmem>> -> memref<125xi32, #tpu.memory_space<vmem>>
      %dma_start3A_24 = arith.constant 0 : i32
      %dma_start3A_25 = arith.constant 0 : i32
      %dma_start3A_26 = tpu.memref_slice %arg8[%dma_start3A_24, %dma_start3A_25] : memref<10000x16xf32, #tpu.memory_space<vmem_shared>> -> memref<10000x16xf32, #tpu.memory_space<vmem_shared>>
      tpu.enqueue_indirect_dma source(%arg7 : memref<125x16xf32, #tpu.memory_space<vmem>>) target(%dma_start3A_26 : memref<10000x16xf32, #tpu.memory_space<vmem_shared>>) offsets(%dma_start3A_23 : memref<125xi32, #tpu.memory_space<vmem>>) semaphore(%arg9 : memref<!tpu.dma_semaphore, #tpu.memory_space<semaphore_mem>>) {add = true}
      %ge3A = arith.constant 1 : i32
      %ge3A_27 = arith.cmpi sge, %scan3A_21, %ge3A : i32
      %convert_element_type3A = arith.extui %ge3A_27 : i1 to i32
      %cond3A = arith.constant 0 : i32
      %cond3A_28 = arith.cmpi ne, %convert_element_type3A, %cond3A : i32
      scf.if %cond3A_28 {
        %sub3A = arith.constant 1 : i32
        %sub3A_29 = arith.subi %scan3A_21, %sub3A : i32
        %dma_wait3A_30 = arith.constant 0 : i32
        %dma_wait3A_31 = tpu.memref_slice %arg6[%sub3A_29, %dma_wait3A_30] : memref<80x125xi32, #tpu.memory_space<vmem>> -> memref<1x125xi32, #tpu.memory_space<vmem>>
        %dma_wait3A_32 = tpu.memref_squeeze %dma_wait3A_31 : memref<1x125xi32, #tpu.memory_space<vmem>> -> memref<125xi32, #tpu.memory_space<vmem>>
        %dma_wait3A_33 = arith.constant 0 : i32
        %dma_wait3A_34 = arith.constant 0 : i32
        %dma_wait3A_35 = tpu.memref_slice %arg8[%dma_wait3A_33, %dma_wait3A_34] : memref<10000x16xf32, #tpu.memory_space<vmem_shared>> -> memref<10000x16xf32, #tpu.memory_space<vmem_shared>>
        tpu.wait_indirect_dma semaphore(%arg9 : memref<!tpu.dma_semaphore, #tpu.memory_space<semaphore_mem>>) src(%arg7 : memref<125x16xf32, #tpu.memory_space<vmem>>) dst(%dma_wait3A_35 : memref<10000x16xf32, #tpu.memory_space<vmem_shared>>)
      } else {
      }
    }
    %scan3A_9 = arith.constant 80 : i32
    %dma_wait3A = arith.constant 79 : i32
    %dma_wait3A_10 = arith.constant 0 : i32
    %dma_wait3A_11 = tpu.memref_slice %arg6[%dma_wait3A, %dma_wait3A_10] : memref<80x125xi32, #tpu.memory_space<vmem>> -> memref<1x125xi32, #tpu.memory_space<vmem>>
    %dma_wait3A_12 = tpu.memref_squeeze %dma_wait3A_11 : memref<1x125xi32, #tpu.memory_space<vmem>> -> memref<125xi32, #tpu.memory_space<vmem>>
    %dma_wait3A_13 = arith.constant 0 : i32
    %dma_wait3A_14 = arith.constant 0 : i32
    %dma_wait3A_15 = tpu.memref_slice %arg8[%dma_wait3A_13, %dma_wait3A_14] : memref<10000x16xf32, #tpu.memory_space<vmem_shared>> -> memref<10000x16xf32, #tpu.memory_space<vmem_shared>>
    tpu.wait_indirect_dma semaphore(%arg9 : memref<!tpu.dma_semaphore, #tpu.memory_space<semaphore_mem>>) src(%arg7 : memref<125x16xf32, #tpu.memory_space<vmem>>) dst(%dma_wait3A_15 : memref<10000x16xf32, #tpu.memory_space<vmem_shared>>)
    %barrier3A_16 = arith.constant 0 : index
    tpu.barrier barrier_id(%barrier3A_16)
    %mul3A_17 = arith.constant 625 : i32
    %mul3A_18 = arith.muli %arg1, %mul3A_17 : i32
    %mul3A_19 = arith.constant 625 : i32
    %mul3A_20 = arith.muli %arg1, %mul3A_19 : i32
    "tpu.region"() ({
      %run_scoped3A = tpu.sem_alloc : memref<!tpu.dma_semaphore, #tpu.memory_space<semaphore_mem>>
      %dma_start3A = arith.constant 0 : i32
      %dma_start3A_21 = tpu.memref_slice %arg5[%arg0, %mul3A_20, %dma_start3A] : memref<2x10000x16xf32, #tpu.memory_space<hbm>> -> memref<1x625x16xf32, #tpu.memory_space<hbm>>
      %dma_start3A_22 = tpu.memref_squeeze %dma_start3A_21 : memref<1x625x16xf32, #tpu.memory_space<hbm>> -> memref<625x16xf32, #tpu.memory_space<hbm>>
      %dma_start3A_23 = arith.constant 0 : i32
      %dma_start3A_24 = tpu.memref_slice %arg8[%mul3A_18, %dma_start3A_23] : memref<10000x16xf32, #tpu.memory_space<vmem_shared>> -> memref<625x16xf32, #tpu.memory_space<vmem_shared>>
      tpu.enqueue_dma source(%dma_start3A_24 : memref<625x16xf32, #tpu.memory_space<vmem_shared>>) target(%dma_start3A_22 : memref<625x16xf32, #tpu.memory_space<hbm>>) target_semaphore(%run_scoped3A : memref<!tpu.dma_semaphore, #tpu.memory_space<semaphore_mem>>)
      %dma_wait3A_25 = arith.constant 0 : i32
      %dma_wait3A_26 = tpu.memref_slice %arg5[%arg0, %mul3A_20, %dma_wait3A_25] : memref<2x10000x16xf32, #tpu.memory_space<hbm>> -> memref<1x625x16xf32, #tpu.memory_space<hbm>>
      %dma_wait3A_27 = tpu.memref_squeeze %dma_wait3A_26 : memref<1x625x16xf32, #tpu.memory_space<hbm>> -> memref<625x16xf32, #tpu.memory_space<hbm>>
      %dma_wait3A_28 = arith.constant 0 : i32
      %dma_wait3A_29 = tpu.memref_slice %arg8[%mul3A_18, %dma_wait3A_28] : memref<10000x16xf32, #tpu.memory_space<vmem_shared>> -> memref<625x16xf32, #tpu.memory_space<vmem_shared>>
      tpu.wait_dma2 semaphore(%run_scoped3A : memref<!tpu.dma_semaphore, #tpu.memory_space<semaphore_mem>>) src(%dma_wait3A_29 : memref<625x16xf32, #tpu.memory_space<vmem_shared>>) dst(%dma_wait3A_27 : memref<625x16xf32, #tpu.memory_space<hbm>>)
      tpu.yield
    }) : () -> ()
    return
  }
}

#map = affine_map<(d0, d1) -> (0, 0, 0)>
#map1 = affine_map<(d0, d1) -> (0, 0)>
module attributes {stable_mosaic.version = 14 : i64} {
  func.func @sc_scatter1(%arg0: i32, %arg1: i32, %arg2: memref<2x10000x64xf32, #tpu.memory_space<hbm>>, %arg3: memref<16x160x125xi32, #tpu.memory_space<hbm>>, %arg4: memref<16x160x125xi32, #tpu.memory_space<hbm>>, %arg5: memref<10000x64xf32, #tpu.memory_space<hbm>>, %arg6: memref<2x10000x64xf32, #tpu.memory_space<hbm>>, %arg7: memref<160x125xi32, #tpu.memory_space<vmem>>, %arg8: memref<160x125xi32, #tpu.memory_space<vmem>>, %arg9: memref<4x125x64xf32, #tpu.memory_space<vmem>>, %arg10: memref<10000x64xf32, #tpu.memory_space<vmem_shared>>, %arg11: memref<!tpu.dma_semaphore, #tpu.memory_space<semaphore_mem>>, %arg12: memref<!tpu.dma_semaphore, #tpu.memory_space<semaphore_mem>>) attributes {dimension_semantics = [#tpu.dimension_semantics<core_parallel>, #tpu.dimension_semantics<subcore_parallel>], iteration_bounds = array<i64: 2, 16>, scalar_prefetch = 0 : i64, scratch_operands = 6 : i64, tpu.core_type = #tpu.core_type<sc_vector_subcore>, window_params = [{transform_indices = #map}, {transform_indices = #map}, {transform_indices = #map}, {transform_indices = #map1}, {transform_indices = #map}]} {
    %mul3A = arith.constant 625 : i32
    %mul3A_0 = arith.muli %arg1, %mul3A : i32
    %mul3A_1 = arith.constant 625 : i32
    %mul3A_2 = arith.muli %arg1, %mul3A_1 : i32
    "tpu.region"() ({
      %run_scoped3A = tpu.sem_alloc : memref<!tpu.dma_semaphore, #tpu.memory_space<semaphore_mem>>
      %dma_start3A_78 = arith.constant 0 : i32
      %dma_start3A_79 = tpu.memref_slice %arg10[%mul3A_2, %dma_start3A_78] : memref<10000x64xf32, #tpu.memory_space<vmem_shared>> -> memref<625x64xf32, #tpu.memory_space<vmem_shared>>
      %dma_start3A_80 = arith.constant 0 : i32
      %dma_start3A_81 = tpu.memref_slice %arg5[%mul3A_0, %dma_start3A_80] : memref<10000x64xf32, #tpu.memory_space<hbm>> -> memref<625x64xf32, #tpu.memory_space<hbm>>
      tpu.enqueue_dma source(%dma_start3A_81 : memref<625x64xf32, #tpu.memory_space<hbm>>) target(%dma_start3A_79 : memref<625x64xf32, #tpu.memory_space<vmem_shared>>) target_semaphore(%run_scoped3A : memref<!tpu.dma_semaphore, #tpu.memory_space<semaphore_mem>>)
      %dma_wait3A_82 = arith.constant 0 : i32
      %dma_wait3A_83 = tpu.memref_slice %arg10[%mul3A_2, %dma_wait3A_82] : memref<10000x64xf32, #tpu.memory_space<vmem_shared>> -> memref<625x64xf32, #tpu.memory_space<vmem_shared>>
      %dma_wait3A_84 = arith.constant 0 : i32
      %dma_wait3A_85 = tpu.memref_slice %arg5[%mul3A_0, %dma_wait3A_84] : memref<10000x64xf32, #tpu.memory_space<hbm>> -> memref<625x64xf32, #tpu.memory_space<hbm>>
      tpu.wait_dma2 semaphore(%run_scoped3A : memref<!tpu.dma_semaphore, #tpu.memory_space<semaphore_mem>>) src(%dma_wait3A_85 : memref<625x64xf32, #tpu.memory_space<hbm>>) dst(%dma_wait3A_83 : memref<625x64xf32, #tpu.memory_space<vmem_shared>>)
      tpu.yield
    }) : () -> ()
    "tpu.region"() ({
      %run_scoped3A = tpu.sem_alloc : memref<!tpu.dma_semaphore, #tpu.memory_space<semaphore_mem>>
      %dma_start3A_78 = arith.constant 0 : i32
      %dma_start3A_79 = arith.constant 0 : i32
      %dma_start3A_80 = tpu.memref_slice %arg3[%arg1, %dma_start3A_78, %dma_start3A_79] : memref<16x160x125xi32, #tpu.memory_space<hbm>> -> memref<1x160x125xi32, #tpu.memory_space<hbm>>
      %dma_start3A_81 = tpu.memref_squeeze %dma_start3A_80 : memref<1x160x125xi32, #tpu.memory_space<hbm>> -> memref<160x125xi32, #tpu.memory_space<hbm>>
      %dma_start3A_82 = arith.constant 0 : i32
      %dma_start3A_83 = arith.constant 0 : i32
      %dma_start3A_84 = tpu.memref_slice %arg3[%arg1, %dma_start3A_82, %dma_start3A_83] : memref<16x160x125xi32, #tpu.memory_space<hbm>> -> memref<1x160x125xi32, #tpu.memory_space<hbm>>
      %dma_start3A_85 = tpu.memref_squeeze %dma_start3A_84 : memref<1x160x125xi32, #tpu.memory_space<hbm>> -> memref<160x125xi32, #tpu.memory_space<hbm>>
      tpu.enqueue_dma source(%dma_start3A_85 : memref<160x125xi32, #tpu.memory_space<hbm>>) target(%arg7 : memref<160x125xi32, #tpu.memory_space<vmem>>) target_semaphore(%run_scoped3A : memref<!tpu.dma_semaphore, #tpu.memory_space<semaphore_mem>>)
      %dma_wait3A_86 = arith.constant 0 : i32
      %dma_wait3A_87 = arith.constant 0 : i32
      %dma_wait3A_88 = tpu.memref_slice %arg3[%arg1, %dma_wait3A_86, %dma_wait3A_87] : memref<16x160x125xi32, #tpu.memory_space<hbm>> -> memref<1x160x125xi32, #tpu.memory_space<hbm>>
      %dma_wait3A_89 = tpu.memref_squeeze %dma_wait3A_88 : memref<1x160x125xi32, #tpu.memory_space<hbm>> -> memref<160x125xi32, #tpu.memory_space<hbm>>
      %dma_wait3A_90 = arith.constant 0 : i32
      %dma_wait3A_91 = arith.constant 0 : i32
      %dma_wait3A_92 = tpu.memref_slice %arg3[%arg1, %dma_wait3A_90, %dma_wait3A_91] : memref<16x160x125xi32, #tpu.memory_space<hbm>> -> memref<1x160x125xi32, #tpu.memory_space<hbm>>
      %dma_wait3A_93 = tpu.memref_squeeze %dma_wait3A_92 : memref<1x160x125xi32, #tpu.memory_space<hbm>> -> memref<160x125xi32, #tpu.memory_space<hbm>>
      tpu.wait_dma2 semaphore(%run_scoped3A : memref<!tpu.dma_semaphore, #tpu.memory_space<semaphore_mem>>) src(%dma_wait3A_93 : memref<160x125xi32, #tpu.memory_space<hbm>>) dst(%arg7 : memref<160x125xi32, #tpu.memory_space<vmem>>)
      tpu.yield
    }) : () -> ()
    "tpu.region"() ({
      %run_scoped3A = tpu.sem_alloc : memref<!tpu.dma_semaphore, #tpu.memory_space<semaphore_mem>>
      %dma_start3A_78 = arith.constant 0 : i32
      %dma_start3A_79 = arith.constant 0 : i32
      %dma_start3A_80 = tpu.memref_slice %arg4[%arg1, %dma_start3A_78, %dma_start3A_79] : memref<16x160x125xi32, #tpu.memory_space<hbm>> -> memref<1x160x125xi32, #tpu.memory_space<hbm>>
      %dma_start3A_81 = tpu.memref_squeeze %dma_start3A_80 : memref<1x160x125xi32, #tpu.memory_space<hbm>> -> memref<160x125xi32, #tpu.memory_space<hbm>>
      %dma_start3A_82 = arith.constant 0 : i32
      %dma_start3A_83 = arith.constant 0 : i32
      %dma_start3A_84 = tpu.memref_slice %arg4[%arg1, %dma_start3A_82, %dma_start3A_83] : memref<16x160x125xi32, #tpu.memory_space<hbm>> -> memref<1x160x125xi32, #tpu.memory_space<hbm>>
      %dma_start3A_85 = tpu.memref_squeeze %dma_start3A_84 : memref<1x160x125xi32, #tpu.memory_space<hbm>> -> memref<160x125xi32, #tpu.memory_space<hbm>>
      tpu.enqueue_dma source(%dma_start3A_85 : memref<160x125xi32, #tpu.memory_space<hbm>>) target(%arg8 : memref<160x125xi32, #tpu.memory_space<vmem>>) target_semaphore(%run_scoped3A : memref<!tpu.dma_semaphore, #tpu.memory_space<semaphore_mem>>)
      %dma_wait3A_86 = arith.constant 0 : i32
      %dma_wait3A_87 = arith.constant 0 : i32
      %dma_wait3A_88 = tpu.memref_slice %arg4[%arg1, %dma_wait3A_86, %dma_wait3A_87] : memref<16x160x125xi32, #tpu.memory_space<hbm>> -> memref<1x160x125xi32, #tpu.memory_space<hbm>>
      %dma_wait3A_89 = tpu.memref_squeeze %dma_wait3A_88 : memref<1x160x125xi32, #tpu.memory_space<hbm>> -> memref<160x125xi32, #tpu.memory_space<hbm>>
      %dma_wait3A_90 = arith.constant 0 : i32
      %dma_wait3A_91 = arith.constant 0 : i32
      %dma_wait3A_92 = tpu.memref_slice %arg4[%arg1, %dma_wait3A_90, %dma_wait3A_91] : memref<16x160x125xi32, #tpu.memory_space<hbm>> -> memref<1x160x125xi32, #tpu.memory_space<hbm>>
      %dma_wait3A_93 = tpu.memref_squeeze %dma_wait3A_92 : memref<1x160x125xi32, #tpu.memory_space<hbm>> -> memref<160x125xi32, #tpu.memory_space<hbm>>
      tpu.wait_dma2 semaphore(%run_scoped3A : memref<!tpu.dma_semaphore, #tpu.memory_space<semaphore_mem>>) src(%dma_wait3A_93 : memref<160x125xi32, #tpu.memory_space<hbm>>) dst(%arg8 : memref<160x125xi32, #tpu.memory_space<vmem>>)
      tpu.yield
    }) : () -> ()
    %barrier3A = arith.constant 0 : index
    tpu.barrier barrier_id(%barrier3A)
    %rem3A = arith.constant 0 : i32
    %rem3A_3 = arith.constant 4 : i32
    %rem3A_4 = arith.remsi %rem3A, %rem3A_3 : i32
    %dma_start3A = arith.constant 0 : i32
    %dma_start3A_5 = arith.constant 0 : i32
    %dma_start3A_6 = arith.constant 0 : i32
    %dma_start3A_7 = tpu.memref_slice %arg9[%rem3A_4, %dma_start3A_5, %dma_start3A_6] : memref<4x125x64xf32, #tpu.memory_space<vmem>> -> memref<1x125x64xf32, #tpu.memory_space<vmem>>
    %dma_start3A_8 = tpu.memref_squeeze %dma_start3A_7 : memref<1x125x64xf32, #tpu.memory_space<vmem>> -> memref<125x64xf32, #tpu.memory_space<vmem>>
    %dma_start3A_9 = arith.constant 0 : i32
    %dma_start3A_10 = tpu.memref_slice %arg7[%dma_start3A, %dma_start3A_9] : memref<160x125xi32, #tpu.memory_space<vmem>> -> memref<1x125xi32, #tpu.memory_space<vmem>>
    %dma_start3A_11 = tpu.memref_squeeze %dma_start3A_10 : memref<1x125xi32, #tpu.memory_space<vmem>> -> memref<125xi32, #tpu.memory_space<vmem>>
    %dma_start3A_12 = arith.constant 0 : i32
    %dma_start3A_13 = arith.constant 0 : i32
    %dma_start3A_14 = tpu.memref_slice %arg2[%arg0, %dma_start3A_12, %dma_start3A_13] : memref<2x10000x64xf32, #tpu.memory_space<hbm>> -> memref<1x10000x64xf32, #tpu.memory_space<hbm>>
    %dma_start3A_15 = tpu.memref_squeeze %dma_start3A_14 : memref<1x10000x64xf32, #tpu.memory_space<hbm>> -> memref<10000x64xf32, #tpu.memory_space<hbm>>
    %dma_start3A_16 = arith.constant 0 : i32
    %dma_start3A_17 = arith.constant 0 : i32
    %dma_start3A_18 = tpu.memref_slice %dma_start3A_15[%dma_start3A_16, %dma_start3A_17] : memref<10000x64xf32, #tpu.memory_space<hbm>> -> memref<10000x64xf32, #tpu.memory_space<hbm>>
    tpu.enqueue_indirect_dma source(%dma_start3A_18 : memref<10000x64xf32, #tpu.memory_space<hbm>>) target(%dma_start3A_8 : memref<125x64xf32, #tpu.memory_space<vmem>>) offsets(%dma_start3A_11 : memref<125xi32, #tpu.memory_space<vmem>>) semaphore(%arg11 : memref<!tpu.dma_semaphore, #tpu.memory_space<semaphore_mem>>)
    %rem3A_19 = arith.constant 1 : i32
    %rem3A_20 = arith.constant 4 : i32
    %rem3A_21 = arith.remsi %rem3A_19, %rem3A_20 : i32
    %dma_start3A_22 = arith.constant 1 : i32
    %dma_start3A_23 = arith.constant 0 : i32
    %dma_start3A_24 = arith.constant 0 : i32
    %dma_start3A_25 = tpu.memref_slice %arg9[%rem3A_21, %dma_start3A_23, %dma_start3A_24] : memref<4x125x64xf32, #tpu.memory_space<vmem>> -> memref<1x125x64xf32, #tpu.memory_space<vmem>>
    %dma_start3A_26 = tpu.memref_squeeze %dma_start3A_25 : memref<1x125x64xf32, #tpu.memory_space<vmem>> -> memref<125x64xf32, #tpu.memory_space<vmem>>
    %dma_start3A_27 = arith.constant 0 : i32
    %dma_start3A_28 = tpu.memref_slice %arg7[%dma_start3A_22, %dma_start3A_27] : memref<160x125xi32, #tpu.memory_space<vmem>> -> memref<1x125xi32, #tpu.memory_space<vmem>>
    %dma_start3A_29 = tpu.memref_squeeze %dma_start3A_28 : memref<1x125xi32, #tpu.memory_space<vmem>> -> memref<125xi32, #tpu.memory_space<vmem>>
    %dma_start3A_30 = arith.constant 0 : i32
    %dma_start3A_31 = arith.constant 0 : i32
    %dma_start3A_32 = tpu.memref_slice %arg2[%arg0, %dma_start3A_30, %dma_start3A_31] : memref<2x10000x64xf32, #tpu.memory_space<hbm>> -> memref<1x10000x64xf32, #tpu.memory_space<hbm>>
    %dma_start3A_33 = tpu.memref_squeeze %dma_start3A_32 : memref<1x10000x64xf32, #tpu.memory_space<hbm>> -> memref<10000x64xf32, #tpu.memory_space<hbm>>
    %dma_start3A_34 = arith.constant 0 : i32
    %dma_start3A_35 = arith.constant 0 : i32
    %dma_start3A_36 = tpu.memref_slice %dma_start3A_33[%dma_start3A_34, %dma_start3A_35] : memref<10000x64xf32, #tpu.memory_space<hbm>> -> memref<10000x64xf32, #tpu.memory_space<hbm>>
    tpu.enqueue_indirect_dma source(%dma_start3A_36 : memref<10000x64xf32, #tpu.memory_space<hbm>>) target(%dma_start3A_26 : memref<125x64xf32, #tpu.memory_space<vmem>>) offsets(%dma_start3A_29 : memref<125xi32, #tpu.memory_space<vmem>>) semaphore(%arg11 : memref<!tpu.dma_semaphore, #tpu.memory_space<semaphore_mem>>)
    %rem3A_37 = arith.constant 2 : i32
    %rem3A_38 = arith.constant 4 : i32
    %rem3A_39 = arith.remsi %rem3A_37, %rem3A_38 : i32
    %dma_start3A_40 = arith.constant 2 : i32
    %dma_start3A_41 = arith.constant 0 : i32
    %dma_start3A_42 = arith.constant 0 : i32
    %dma_start3A_43 = tpu.memref_slice %arg9[%rem3A_39, %dma_start3A_41, %dma_start3A_42] : memref<4x125x64xf32, #tpu.memory_space<vmem>> -> memref<1x125x64xf32, #tpu.memory_space<vmem>>
    %dma_start3A_44 = tpu.memref_squeeze %dma_start3A_43 : memref<1x125x64xf32, #tpu.memory_space<vmem>> -> memref<125x64xf32, #tpu.memory_space<vmem>>
    %dma_start3A_45 = arith.constant 0 : i32
    %dma_start3A_46 = tpu.memref_slice %arg7[%dma_start3A_40, %dma_start3A_45] : memref<160x125xi32, #tpu.memory_space<vmem>> -> memref<1x125xi32, #tpu.memory_space<vmem>>
    %dma_start3A_47 = tpu.memref_squeeze %dma_start3A_46 : memref<1x125xi32, #tpu.memory_space<vmem>> -> memref<125xi32, #tpu.memory_space<vmem>>
    %dma_start3A_48 = arith.constant 0 : i32
    %dma_start3A_49 = arith.constant 0 : i32
    %dma_start3A_50 = tpu.memref_slice %arg2[%arg0, %dma_start3A_48, %dma_start3A_49] : memref<2x10000x64xf32, #tpu.memory_space<hbm>> -> memref<1x10000x64xf32, #tpu.memory_space<hbm>>
    %dma_start3A_51 = tpu.memref_squeeze %dma_start3A_50 : memref<1x10000x64xf32, #tpu.memory_space<hbm>> -> memref<10000x64xf32, #tpu.memory_space<hbm>>
    %dma_start3A_52 = arith.constant 0 : i32
    %dma_start3A_53 = arith.constant 0 : i32
    %dma_start3A_54 = tpu.memref_slice %dma_start3A_51[%dma_start3A_52, %dma_start3A_53] : memref<10000x64xf32, #tpu.memory_space<hbm>> -> memref<10000x64xf32, #tpu.memory_space<hbm>>
    tpu.enqueue_indirect_dma source(%dma_start3A_54 : memref<10000x64xf32, #tpu.memory_space<hbm>>) target(%dma_start3A_44 : memref<125x64xf32, #tpu.memory_space<vmem>>) offsets(%dma_start3A_47 : memref<125xi32, #tpu.memory_space<vmem>>) semaphore(%arg11 : memref<!tpu.dma_semaphore, #tpu.memory_space<semaphore_mem>>)
    %scan3A = arith.constant 0 : i32
    %scan3A_55 = arith.constant 0 : i32
    %scan3A_56 = arith.constant 160 : i32
    %scan3A_57 = arith.addi %scan3A_55, %scan3A_56 : i32
    %scan3A_58 = arith.constant 1 : i32
    scf.for %scan3A_78 = %scan3A_55 to %scan3A_57 step %scan3A_58  : i32 {
      %rem3A_79 = arith.constant 4 : i32
      %rem3A_80 = arith.remsi %scan3A_78, %rem3A_79 : i32
      %dma_wait3A_81 = arith.constant 0 : i32
      %dma_wait3A_82 = arith.constant 0 : i32
      %dma_wait3A_83 = tpu.memref_slice %arg9[%rem3A_80, %dma_wait3A_81, %dma_wait3A_82] : memref<4x125x64xf32, #tpu.memory_space<vmem>> -> memref<1x125x64xf32, #tpu.memory_space<vmem>>
      %dma_wait3A_84 = tpu.memref_squeeze %dma_wait3A_83 : memref<1x125x64xf32, #tpu.memory_space<vmem>> -> memref<125x64xf32, #tpu.memory_space<vmem>>
      %dma_wait3A_85 = arith.constant 0 : i32
      %dma_wait3A_86 = tpu.memref_slice %arg7[%scan3A_78, %dma_wait3A_85] : memref<160x125xi32, #tpu.memory_space<vmem>> -> memref<1x125xi32, #tpu.memory_space<vmem>>
      %dma_wait3A_87 = tpu.memref_squeeze %dma_wait3A_86 : memref<1x125xi32, #tpu.memory_space<vmem>> -> memref<125xi32, #tpu.memory_space<vmem>>
      %dma_wait3A_88 = arith.constant 0 : i32
      %dma_wait3A_89 = arith.constant 0 : i32
      %dma_wait3A_90 = tpu.memref_slice %arg2[%arg0, %dma_wait3A_88, %dma_wait3A_89] : memref<2x10000x64xf32, #tpu.memory_space<hbm>> -> memref<1x10000x64xf32, #tpu.memory_space<hbm>>
      %dma_wait3A_91 = tpu.memref_squeeze %dma_wait3A_90 : memref<1x10000x64xf32, #tpu.memory_space<hbm>> -> memref<10000x64xf32, #tpu.memory_space<hbm>>
      %dma_wait3A_92 = arith.constant 0 : i32
      %dma_wait3A_93 = arith.constant 0 : i32
      %dma_wait3A_94 = tpu.memref_slice %dma_wait3A_91[%dma_wait3A_92, %dma_wait3A_93] : memref<10000x64xf32, #tpu.memory_space<hbm>> -> memref<10000x64xf32, #tpu.memory_space<hbm>>
      tpu.wait_indirect_dma semaphore(%arg11 : memref<!tpu.dma_semaphore, #tpu.memory_space<semaphore_mem>>) src(%dma_wait3A_94 : memref<10000x64xf32, #tpu.memory_space<hbm>>) dst(%dma_wait3A_84 : memref<125x64xf32, #tpu.memory_space<vmem>>)
      %rem3A_95 = arith.constant 4 : i32
      %rem3A_96 = arith.remsi %scan3A_78, %rem3A_95 : i32
      %dma_start3A_97 = arith.constant 0 : i32
      %dma_start3A_98 = arith.constant 0 : i32
      %dma_start3A_99 = tpu.memref_slice %arg9[%rem3A_96, %dma_start3A_97, %dma_start3A_98] : memref<4x125x64xf32, #tpu.memory_space<vmem>> -> memref<1x125x64xf32, #tpu.memory_space<vmem>>
      %dma_start3A_100 = tpu.memref_squeeze %dma_start3A_99 : memref<1x125x64xf32, #tpu.memory_space<vmem>> -> memref<125x64xf32, #tpu.memory_space<vmem>>
      %dma_start3A_101 = arith.constant 0 : i32
      %dma_start3A_102 = tpu.memref_slice %arg8[%scan3A_78, %dma_start3A_101] : memref<160x125xi32, #tpu.memory_space<vmem>> -> memref<1x125xi32, #tpu.memory_space<vmem>>
      %dma_start3A_103 = tpu.memref_squeeze %dma_start3A_102 : memref<1x125xi32, #tpu.memory_space<vmem>> -> memref<125xi32, #tpu.memory_space<vmem>>
      %dma_start3A_104 = arith.constant 0 : i32
      %dma_start3A_105 = arith.constant 0 : i32
      %dma_start3A_106 = tpu.memref_slice %arg10[%dma_start3A_104, %dma_start3A_105] : memref<10000x64xf32, #tpu.memory_space<vmem_shared>> -> memref<10000x64xf32, #tpu.memory_space<vmem_shared>>
      tpu.enqueue_indirect_dma source(%dma_start3A_100 : memref<125x64xf32, #tpu.memory_space<vmem>>) target(%dma_start3A_106 : memref<10000x64xf32, #tpu.memory_space<vmem_shared>>) offsets(%dma_start3A_103 : memref<125xi32, #tpu.memory_space<vmem>>) semaphore(%arg12 : memref<!tpu.dma_semaphore, #tpu.memory_space<semaphore_mem>>) {add = true}
      %ge3A = arith.constant 1 : i32
      %ge3A_107 = arith.cmpi sge, %scan3A_78, %ge3A : i32
      %convert_element_type3A = arith.extui %ge3A_107 : i1 to i32
      %cond3A = arith.constant 0 : i32
      %cond3A_108 = arith.cmpi ne, %convert_element_type3A, %cond3A : i32
      scf.if %cond3A_108 {
        %sub3A_115 = arith.constant 1 : i32
        %sub3A_116 = arith.subi %scan3A_78, %sub3A_115 : i32
        %rem3A_117 = arith.constant 4 : i32
        %rem3A_118 = arith.remsi %sub3A_116, %rem3A_117 : i32
        %dma_wait3A_119 = arith.constant 0 : i32
        %dma_wait3A_120 = arith.constant 0 : i32
        %dma_wait3A_121 = tpu.memref_slice %arg9[%rem3A_118, %dma_wait3A_119, %dma_wait3A_120] : memref<4x125x64xf32, #tpu.memory_space<vmem>> -> memref<1x125x64xf32, #tpu.memory_space<vmem>>
        %dma_wait3A_122 = tpu.memref_squeeze %dma_wait3A_121 : memref<1x125x64xf32, #tpu.memory_space<vmem>> -> memref<125x64xf32, #tpu.memory_space<vmem>>
        %dma_wait3A_123 = arith.constant 0 : i32
        %dma_wait3A_124 = tpu.memref_slice %arg8[%sub3A_116, %dma_wait3A_123] : memref<160x125xi32, #tpu.memory_space<vmem>> -> memref<1x125xi32, #tpu.memory_space<vmem>>
        %dma_wait3A_125 = tpu.memref_squeeze %dma_wait3A_124 : memref<1x125xi32, #tpu.memory_space<vmem>> -> memref<125xi32, #tpu.memory_space<vmem>>
        %dma_wait3A_126 = arith.constant 0 : i32
        %dma_wait3A_127 = arith.constant 0 : i32
        %dma_wait3A_128 = tpu.memref_slice %arg10[%dma_wait3A_126, %dma_wait3A_127] : memref<10000x64xf32, #tpu.memory_space<vmem_shared>> -> memref<10000x64xf32, #tpu.memory_space<vmem_shared>>
        tpu.wait_indirect_dma semaphore(%arg12 : memref<!tpu.dma_semaphore, #tpu.memory_space<semaphore_mem>>) src(%dma_wait3A_122 : memref<125x64xf32, #tpu.memory_space<vmem>>) dst(%dma_wait3A_128 : memref<10000x64xf32, #tpu.memory_space<vmem_shared>>)
      } else {
      }
      %add3A = arith.constant 4 : i32
      %add3A_109 = arith.addi %scan3A_78, %add3A : i32
      %sub3A = arith.constant 1 : i32
      %sub3A_110 = arith.subi %add3A_109, %sub3A : i32
      %lt3A = arith.constant 160 : i32
      %lt3A_111 = arith.cmpi slt, %sub3A_110, %lt3A : i32
      %convert_element_type3A_112 = arith.extui %lt3A_111 : i1 to i32
      %cond3A_113 = arith.constant 0 : i32
      %cond3A_114 = arith.cmpi ne, %convert_element_type3A_112, %cond3A_113 : i32
      scf.if %cond3A_114 {
        %add3A_115 = arith.constant 4 : i32
        %add3A_116 = arith.addi %scan3A_78, %add3A_115 : i32
        %sub3A_117 = arith.constant 1 : i32
        %sub3A_118 = arith.subi %add3A_116, %sub3A_117 : i32
        %rem3A_119 = arith.constant 4 : i32
        %rem3A_120 = arith.remsi %sub3A_118, %rem3A_119 : i32
        %dma_start3A_121 = arith.constant 0 : i32
        %dma_start3A_122 = arith.constant 0 : i32
        %dma_start3A_123 = tpu.memref_slice %arg9[%rem3A_120, %dma_start3A_121, %dma_start3A_122] : memref<4x125x64xf32, #tpu.memory_space<vmem>> -> memref<1x125x64xf32, #tpu.memory_space<vmem>>
        %dma_start3A_124 = tpu.memref_squeeze %dma_start3A_123 : memref<1x125x64xf32, #tpu.memory_space<vmem>> -> memref<125x64xf32, #tpu.memory_space<vmem>>
        %dma_start3A_125 = arith.constant 0 : i32
        %dma_start3A_126 = tpu.memref_slice %arg7[%sub3A_118, %dma_start3A_125] : memref<160x125xi32, #tpu.memory_space<vmem>> -> memref<1x125xi32, #tpu.memory_space<vmem>>
        %dma_start3A_127 = tpu.memref_squeeze %dma_start3A_126 : memref<1x125xi32, #tpu.memory_space<vmem>> -> memref<125xi32, #tpu.memory_space<vmem>>
        %dma_start3A_128 = arith.constant 0 : i32
        %dma_start3A_129 = arith.constant 0 : i32
        %dma_start3A_130 = tpu.memref_slice %arg2[%arg0, %dma_start3A_128, %dma_start3A_129] : memref<2x10000x64xf32, #tpu.memory_space<hbm>> -> memref<1x10000x64xf32, #tpu.memory_space<hbm>>
        %dma_start3A_131 = tpu.memref_squeeze %dma_start3A_130 : memref<1x10000x64xf32, #tpu.memory_space<hbm>> -> memref<10000x64xf32, #tpu.memory_space<hbm>>
        %dma_start3A_132 = arith.constant 0 : i32
        %dma_start3A_133 = arith.constant 0 : i32
        %dma_start3A_134 = tpu.memref_slice %dma_start3A_131[%dma_start3A_132, %dma_start3A_133] : memref<10000x64xf32, #tpu.memory_space<hbm>> -> memref<10000x64xf32, #tpu.memory_space<hbm>>
        tpu.enqueue_indirect_dma source(%dma_start3A_134 : memref<10000x64xf32, #tpu.memory_space<hbm>>) target(%dma_start3A_124 : memref<125x64xf32, #tpu.memory_space<vmem>>) offsets(%dma_start3A_127 : memref<125xi32, #tpu.memory_space<vmem>>) semaphore(%arg11 : memref<!tpu.dma_semaphore, #tpu.memory_space<semaphore_mem>>)
      } else {
      }
    }
    %scan3A_59 = arith.constant 160 : i32
    %rem3A_60 = arith.constant 159 : i32
    %rem3A_61 = arith.constant 4 : i32
    %rem3A_62 = arith.remsi %rem3A_60, %rem3A_61 : i32
    %dma_wait3A = arith.constant 159 : i32
    %dma_wait3A_63 = arith.constant 0 : i32
    %dma_wait3A_64 = arith.constant 0 : i32
    %dma_wait3A_65 = tpu.memref_slice %arg9[%rem3A_62, %dma_wait3A_63, %dma_wait3A_64] : memref<4x125x64xf32, #tpu.memory_space<vmem>> -> memref<1x125x64xf32, #tpu.memory_space<vmem>>
    %dma_wait3A_66 = tpu.memref_squeeze %dma_wait3A_65 : memref<1x125x64xf32, #tpu.memory_space<vmem>> -> memref<125x64xf32, #tpu.memory_space<vmem>>
    %dma_wait3A_67 = arith.constant 0 : i32
    %dma_wait3A_68 = tpu.memref_slice %arg8[%dma_wait3A, %dma_wait3A_67] : memref<160x125xi32, #tpu.memory_space<vmem>> -> memref<1x125xi32, #tpu.memory_space<vmem>>
    %dma_wait3A_69 = tpu.memref_squeeze %dma_wait3A_68 : memref<1x125xi32, #tpu.memory_space<vmem>> -> memref<125xi32, #tpu.memory_space<vmem>>
    %dma_wait3A_70 = arith.constant 0 : i32
    %dma_wait3A_71 = arith.constant 0 : i32
    %dma_wait3A_72 = tpu.memref_slice %arg10[%dma_wait3A_70, %dma_wait3A_71] : memref<10000x64xf32, #tpu.memory_space<vmem_shared>> -> memref<10000x64xf32, #tpu.memory_space<vmem_shared>>
    tpu.wait_indirect_dma semaphore(%arg12 : memref<!tpu.dma_semaphore, #tpu.memory_space<semaphore_mem>>) src(%dma_wait3A_66 : memref<125x64xf32, #tpu.memory_space<vmem>>) dst(%dma_wait3A_72 : memref<10000x64xf32, #tpu.memory_space<vmem_shared>>)
    %barrier3A_73 = arith.constant 0 : index
    tpu.barrier barrier_id(%barrier3A_73)
    %mul3A_74 = arith.constant 625 : i32
    %mul3A_75 = arith.muli %arg1, %mul3A_74 : i32
    %mul3A_76 = arith.constant 625 : i32
    %mul3A_77 = arith.muli %arg1, %mul3A_76 : i32
    "tpu.region"() ({
      %run_scoped3A = tpu.sem_alloc : memref<!tpu.dma_semaphore, #tpu.memory_space<semaphore_mem>>
      %dma_start3A_78 = arith.constant 0 : i32
      %dma_start3A_79 = tpu.memref_slice %arg6[%arg0, %mul3A_77, %dma_start3A_78] : memref<2x10000x64xf32, #tpu.memory_space<hbm>> -> memref<1x625x64xf32, #tpu.memory_space<hbm>>
      %dma_start3A_80 = tpu.memref_squeeze %dma_start3A_79 : memref<1x625x64xf32, #tpu.memory_space<hbm>> -> memref<625x64xf32, #tpu.memory_space<hbm>>
      %dma_start3A_81 = arith.constant 0 : i32
      %dma_start3A_82 = tpu.memref_slice %arg10[%mul3A_75, %dma_start3A_81] : memref<10000x64xf32, #tpu.memory_space<vmem_shared>> -> memref<625x64xf32, #tpu.memory_space<vmem_shared>>
      tpu.enqueue_dma source(%dma_start3A_82 : memref<625x64xf32, #tpu.memory_space<vmem_shared>>) target(%dma_start3A_80 : memref<625x64xf32, #tpu.memory_space<hbm>>) target_semaphore(%run_scoped3A : memref<!tpu.dma_semaphore, #tpu.memory_space<semaphore_mem>>)
      %dma_wait3A_83 = arith.constant 0 : i32
      %dma_wait3A_84 = tpu.memref_slice %arg6[%arg0, %mul3A_77, %dma_wait3A_83] : memref<2x10000x64xf32, #tpu.memory_space<hbm>> -> memref<1x625x64xf32, #tpu.memory_space<hbm>>
      %dma_wait3A_85 = tpu.memref_squeeze %dma_wait3A_84 : memref<1x625x64xf32, #tpu.memory_space<hbm>> -> memref<625x64xf32, #tpu.memory_space<hbm>>
      %dma_wait3A_86 = arith.constant 0 : i32
      %dma_wait3A_87 = tpu.memref_slice %arg10[%mul3A_75, %dma_wait3A_86] : memref<10000x64xf32, #tpu.memory_space<vmem_shared>> -> memref<625x64xf32, #tpu.memory_space<vmem_shared>>
      tpu.wait_dma2 semaphore(%run_scoped3A : memref<!tpu.dma_semaphore, #tpu.memory_space<semaphore_mem>>) src(%dma_wait3A_87 : memref<625x64xf32, #tpu.memory_space<vmem_shared>>) dst(%dma_wait3A_85 : memref<625x64xf32, #tpu.memory_space<hbm>>)
      tpu.yield
    }) : () -> ()
    return
  }
}

module attributes {stable_mosaic.version = 14 : i64} {
  func.func @_tc_matmul1(%arg0: i32, %arg1: memref<2000x128xf32, #tpu.memory_space<vmem>>, %arg2: memref<128x128xf32, #tpu.memory_space<vmem>>, %arg3: memref<2000x128xf32, #tpu.memory_space<vmem>>) attributes {dimension_semantics = [#tpu.dimension_semantics<arbitrary>], iteration_bounds = array<i64: 5>, scalar_prefetch = 0 : i64, scratch_operands = 0 : i64, tpu.core_type = #tpu.core_type<tc>, window_params = [{transform_indices = @transform_0, window_bounds = array<i64: 2000, 128>}, {pipeline_mode = #tpu.pipeline_mode<synchronous>, transform_indices = @transform_1, window_bounds = array<i64: 128, 128>}, {transform_indices = @transform_2, window_bounds = array<i64: 2000, 128>}]} {
    %get3A = arith.constant 0 : index
    %get3A_0 = arith.constant 0 : index
    %get3A_1 = vector.load %arg1[%get3A, %get3A_0] : memref<2000x128xf32, #tpu.memory_space<vmem>>, vector<2000x128xf32>
    %get3A_2 = arith.constant 0 : index
    %get3A_3 = arith.constant 0 : index
    %get3A_4 = vector.load %arg2[%get3A_2, %get3A_3] : memref<128x128xf32, #tpu.memory_space<vmem>>, vector<128x128xf32>
    %dot_general3A = arith.constant dense<0.000000e+00> : vector<2000x128xf32>
    %dot_general3A_5 = tpu.matmul %get3A_1, %get3A_4, %dot_general3A {dimension_numbers = #tpu.dot_dimension_numbers<[1], [0], [0], [1], [0, 0, 1, 1], [], []>, transpose_lhs_hint = false} : vector<2000x128xf32>, vector<128x128xf32>, vector<2000x128xf32> -> vector<2000x128xf32>
    %swap3A = arith.constant 0 : index
    %swap3A_6 = arith.constant 0 : index
    %swap3A_7 = vector.load %arg3[%swap3A, %swap3A_6] : memref<2000x128xf32, #tpu.memory_space<vmem>>, vector<2000x128xf32>
    tpu.vector_store %arg3[%swap3A, %swap3A_6], %dot_general3A_5 {strides = array<i32>} : memref<2000x128xf32, #tpu.memory_space<vmem>>, vector<2000x128xf32>,
    return
  }
  func.func @transform_0(%arg0: i32) -> (i32, i32) {
    %c0_i32 = arith.constant 0 : i32
    %c0_i32_0 = arith.constant 0 : i32
    return %arg0, %c0_i32 : i32, i32
  }
  func.func @transform_1(%arg0: i32) -> (i32, i32) {
    %c0_i32 = arith.constant 0 : i32
    %c0_i32_0 = arith.constant 0 : i32
    %c0_i32_1 = arith.constant 0 : i32
    return %c0_i32, %c0_i32_0 : i32, i32
  }
  func.func @transform_2(%arg0: i32) -> (i32, i32) {
    %c0_i32 = arith.constant 0 : i32
    %c0_i32_0 = arith.constant 0 : i32
    return %arg0, %c0_i32 : i32, i32
  }
}

module attributes {stable_mosaic.version = 14 : i64} {
  func.func @_tc_scale1(%arg0: i32, %arg1: memref<2000x128xf32, #tpu.memory_space<vmem>>, %arg2: memref<2x2000x16xf32, #tpu.memory_space<vmem>>, %arg3: memref<2x2000x64xf32, #tpu.memory_space<vmem>>) attributes {dimension_semantics = [#tpu.dimension_semantics<arbitrary>], iteration_bounds = array<i64: 5>, scalar_prefetch = 0 : i64, scratch_operands = 0 : i64, tpu.core_type = #tpu.core_type<tc>, window_params = [{transform_indices = @transform_0, window_bounds = array<i64: 2000, 128>}, {transform_indices = @transform_1, window_bounds = array<i64: 2, 2000, 16>}, {transform_indices = @transform_2, window_bounds = array<i64: 2, 2000, 64>}]} {
    %get3A = arith.constant 0 : index
    %get3A_0 = arith.constant 0 : index
    %get3A_1 = arith.constant 0 : index
    %get3A_2 = vector.load %arg2[%get3A, %get3A_0, %get3A_1] : memref<2x2000x16xf32, #tpu.memory_space<vmem>>, vector<2x2000x16xf32>
    %slice3A = vector.extract_strided_slice %get3A_2 {offsets = [0, 0, 0], sizes = [1, 2000, 1], strides = [1, 1, 1]} : vector<2x2000x16xf32> to vector<1x2000x1xf32>
    %squeeze3A = vector.shape_cast %slice3A : vector<1x2000x1xf32> to vector<2000x1xf32>
    %slice3A_3 = vector.extract_strided_slice %get3A_2 {offsets = [1, 0, 0], sizes = [1, 2000, 1], strides = [1, 1, 1]} : vector<2x2000x16xf32> to vector<1x2000x1xf32>
    %squeeze3A_4 = vector.shape_cast %slice3A_3 : vector<1x2000x1xf32> to vector<2000x1xf32>
    %add3A = arith.addf %squeeze3A, %squeeze3A_4 : vector<2000x1xf32>
    %add3A_5 = arith.constant 1.000000e+00 : f32
    %add3A_6 = vector.broadcast %add3A_5 : f32 to vector<2000x1xf32>
    %add3A_7 = arith.addf %add3A, %add3A_6 : vector<2000x1xf32>
    %rsqrt3A = math.rsqrt %add3A_7 : vector<2000x1xf32>
    %get3A_8 = arith.constant 0 : index
    %get3A_9 = arith.constant 0 : index
    %get3A_10 = vector.load %arg1[%get3A_8, %get3A_9] : memref<2000x128xf32, #tpu.memory_space<vmem>>, vector<2000x128xf32>
    %mul3A = vector.broadcast %rsqrt3A : vector<2000x1xf32> to vector<2000x128xf32>
    %mul3A_11 = arith.mulf %get3A_10, %mul3A : vector<2000x128xf32>
    %slice3A_12 = vector.extract_strided_slice %mul3A_11 {offsets = [0, 0], sizes = [2000, 64], strides = [1, 1]} : vector<2000x128xf32> to vector<2000x64xf32>
    %swap3A = arith.constant 0 : index
    %swap3A_13 = arith.constant 0 : index
    %swap3A_14 = arith.constant 0 : index
    %swap3A_15 = vector.load %arg3[%swap3A, %swap3A_13, %swap3A_14] : memref<2x2000x64xf32, #tpu.memory_space<vmem>>, vector<1x2000x64xf32>
    %swap3A_16 = vector.shape_cast %swap3A_15 : vector<1x2000x64xf32> to vector<2000x64xf32>
    %swap3A_17 = vector.shape_cast %slice3A_12 : vector<2000x64xf32> to vector<1x2000x64xf32>
    tpu.vector_store %arg3[%swap3A, %swap3A_13, %swap3A_14], %swap3A_17 {strides = array<i32>} : memref<2x2000x64xf32, #tpu.memory_space<vmem>>, vector<1x2000x64xf32>,
    %slice3A_18 = vector.extract_strided_slice %mul3A_11 {offsets = [0, 64], sizes = [2000, 64], strides = [1, 1]} : vector<2000x128xf32> to vector<2000x64xf32>
    %swap3A_19 = arith.constant 1 : index
    %swap3A_20 = arith.constant 0 : index
    %swap3A_21 = arith.constant 0 : index
    %swap3A_22 = vector.load %arg3[%swap3A_19, %swap3A_20, %swap3A_21] : memref<2x2000x64xf32, #tpu.memory_space<vmem>>, vector<1x2000x64xf32>
    %swap3A_23 = vector.shape_cast %swap3A_22 : vector<1x2000x64xf32> to vector<2000x64xf32>
    %swap3A_24 = vector.shape_cast %slice3A_18 : vector<2000x64xf32> to vector<1x2000x64xf32>
    tpu.vector_store %arg3[%swap3A_19, %swap3A_20, %swap3A_21], %swap3A_24 {strides = array<i32>} : memref<2x2000x64xf32, #tpu.memory_space<vmem>>, vector<1x2000x64xf32>,
    return
  }
  func.func @transform_0(%arg0: i32) -> (i32, i32) {
    %c0_i32 = arith.constant 0 : i32
    %c0_i32_0 = arith.constant 0 : i32
    return %arg0, %c0_i32 : i32, i32
  }
  func.func @transform_1(%arg0: i32) -> (i32, i32, i32) {
    %c0_i32 = arith.constant 0 : i32
    %c0_i32_0 = arith.constant 0 : i32
    %c0_i32_1 = arith.constant 0 : i32
    return %c0_i32, %arg0, %c0_i32_0 : i32, i32, i32
  }
  func.func @transform_2(%arg0: i32) -> (i32, i32, i32) {
    %c0_i32 = arith.constant 0 : i32
    %c0_i32_0 = arith.constant 0 : i32
    %c0_i32_1 = arith.constant 0 : i32
    return %c0_i32, %arg0, %c0_i32_0 : i32, i32, i32
  }
}

module attributes {stable_mosaic.version = 14 : i64} {
  func.func @_tc_stage2(%arg0: i32, %arg1: memref<2x2000x64xf32, #tpu.memory_space<vmem>>, %arg2: memref<2x2000x64xf32, #tpu.memory_space<vmem>>, %arg3: memref<2x2000x16xf32, #tpu.memory_space<vmem>>, %arg4: memref<2x1x64xf32, #tpu.memory_space<vmem>>, %arg5: memref<128x64xf32, #tpu.memory_space<vmem>>, %arg6: memref<2000x64xf32, #tpu.memory_space<vmem>>) attributes {dimension_semantics = [#tpu.dimension_semantics<arbitrary>], iteration_bounds = array<i64: 5>, scalar_prefetch = 0 : i64, scratch_operands = 0 : i64, tpu.core_type = #tpu.core_type<tc>, window_params = [{transform_indices = @transform_0, window_bounds = array<i64: 2, 2000, 64>}, {transform_indices = @transform_1, window_bounds = array<i64: 2, 2000, 64>}, {transform_indices = @transform_2, window_bounds = array<i64: 2, 2000, 16>}, {pipeline_mode = #tpu.pipeline_mode<synchronous>, transform_indices = @transform_3, window_bounds = array<i64: 2, 1, 64>}, {pipeline_mode = #tpu.pipeline_mode<synchronous>, transform_indices = @transform_4, window_bounds = array<i64: 128, 64>}, {transform_indices = @transform_5, window_bounds = array<i64: 2000, 64>}]} {
    %get3A = arith.constant 0 : index
    %get3A_0 = arith.constant 0 : index
    %get3A_1 = arith.constant 0 : index
    %get3A_2 = vector.load %arg3[%get3A, %get3A_0, %get3A_1] : memref<2x2000x16xf32, #tpu.memory_space<vmem>>, vector<2x2000x16xf32>
    %slice3A = vector.extract_strided_slice %get3A_2 {offsets = [0, 0, 0], sizes = [1, 2000, 1], strides = [1, 1, 1]} : vector<2x2000x16xf32> to vector<1x2000x1xf32>
    %squeeze3A = vector.shape_cast %slice3A : vector<1x2000x1xf32> to vector<2000x1xf32>
    %slice3A_3 = vector.extract_strided_slice %get3A_2 {offsets = [1, 0, 0], sizes = [1, 2000, 1], strides = [1, 1, 1]} : vector<2x2000x16xf32> to vector<1x2000x1xf32>
    %squeeze3A_4 = vector.shape_cast %slice3A_3 : vector<1x2000x1xf32> to vector<2000x1xf32>
    %add3A = arith.addf %squeeze3A, %squeeze3A_4 : vector<2000x1xf32>
    %add3A_5 = arith.constant 1.000000e+00 : f32
    %add3A_6 = vector.broadcast %add3A_5 : f32 to vector<2000x1xf32>
    %add3A_7 = arith.addf %add3A, %add3A_6 : vector<2000x1xf32>
    %rsqrt3A = math.rsqrt %add3A_7 : vector<2000x1xf32>
    %get3A_8 = arith.constant 0 : index
    %get3A_9 = arith.constant 0 : index
    %get3A_10 = arith.constant 0 : index
    %get3A_11 = vector.load %arg1[%get3A_8, %get3A_9, %get3A_10] : memref<2x2000x64xf32, #tpu.memory_space<vmem>>, vector<1x2000x64xf32>
    %get3A_12 = vector.shape_cast %get3A_11 : vector<1x2000x64xf32> to vector<2000x64xf32>
    %get3A_13 = arith.constant 0 : index
    %get3A_14 = arith.constant 0 : index
    %get3A_15 = arith.constant 0 : index
    %get3A_16 = vector.load %arg2[%get3A_13, %get3A_14, %get3A_15] : memref<2x2000x64xf32, #tpu.memory_space<vmem>>, vector<1x2000x64xf32>
    %get3A_17 = vector.shape_cast %get3A_16 : vector<1x2000x64xf32> to vector<2000x64xf32>
    %add3A_18 = arith.addf %get3A_12, %get3A_17 : vector<2000x64xf32>
    %mul3A = vector.broadcast %rsqrt3A : vector<2000x1xf32> to vector<2000x64xf32>
    %mul3A_19 = arith.mulf %mul3A, %add3A_18 : vector<2000x64xf32>
    %get3A_20 = arith.constant 0 : index
    %get3A_21 = arith.constant 0 : index
    %get3A_22 = arith.constant 0 : index
    %get3A_23 = vector.load %arg4[%get3A_20, %get3A_21, %get3A_22] : memref<2x1x64xf32, #tpu.memory_space<vmem>>, vector<1x1x64xf32>
    %get3A_24 = vector.shape_cast %get3A_23 : vector<1x1x64xf32> to vector<1x64xf32>
    %add3A_25 = vector.broadcast %get3A_24 : vector<1x64xf32> to vector<2000x64xf32>
    %add3A_26 = arith.addf %mul3A_19, %add3A_25 : vector<2000x64xf32>
    %get3A_27 = arith.constant 1 : index
    %get3A_28 = arith.constant 0 : index
    %get3A_29 = arith.constant 0 : index
    %get3A_30 = vector.load %arg1[%get3A_27, %get3A_28, %get3A_29] : memref<2x2000x64xf32, #tpu.memory_space<vmem>>, vector<1x2000x64xf32>
    %get3A_31 = vector.shape_cast %get3A_30 : vector<1x2000x64xf32> to vector<2000x64xf32>
    %get3A_32 = arith.constant 1 : index
    %get3A_33 = arith.constant 0 : index
    %get3A_34 = arith.constant 0 : index
    %get3A_35 = vector.load %arg2[%get3A_32, %get3A_33, %get3A_34] : memref<2x2000x64xf32, #tpu.memory_space<vmem>>, vector<1x2000x64xf32>
    %get3A_36 = vector.shape_cast %get3A_35 : vector<1x2000x64xf32> to vector<2000x64xf32>
    %add3A_37 = arith.addf %get3A_31, %get3A_36 : vector<2000x64xf32>
    %mul3A_38 = vector.broadcast %rsqrt3A : vector<2000x1xf32> to vector<2000x64xf32>
    %mul3A_39 = arith.mulf %mul3A_38, %add3A_37 : vector<2000x64xf32>
    %get3A_40 = arith.constant 1 : index
    %get3A_41 = arith.constant 0 : index
    %get3A_42 = arith.constant 0 : index
    %get3A_43 = vector.load %arg4[%get3A_40, %get3A_41, %get3A_42] : memref<2x1x64xf32, #tpu.memory_space<vmem>>, vector<1x1x64xf32>
    %get3A_44 = vector.shape_cast %get3A_43 : vector<1x1x64xf32> to vector<1x64xf32>
    %add3A_45 = vector.broadcast %get3A_44 : vector<1x64xf32> to vector<2000x64xf32>
    %add3A_46 = arith.addf %mul3A_39, %add3A_45 : vector<2000x64xf32>
    %concatenate3A = tpu.concatenate %add3A_26, %add3A_46 in 1 : vector<2000x64xf32>, vector<2000x64xf32> -> vector<2000x128xf32>
    %gt3A = arith.constant 0.000000e+00 : f32
    %gt3A_47 = vector.broadcast %gt3A : f32 to vector<2000x128xf32>
    %gt3A_48 = arith.cmpf ogt, %concatenate3A, %gt3A_47 : vector<2000x128xf32>
    %exp3A = math.exp %concatenate3A : vector<2000x128xf32>
    %sub3A = arith.constant 1.000000e+00 : f32
    %sub3A_49 = vector.broadcast %sub3A : f32 to vector<2000x128xf32>
    %sub3A_50 = arith.subf %exp3A, %sub3A_49 : vector<2000x128xf32>
    %mul3A_51 = arith.constant 1.67326319 : f32
    %mul3A_52 = vector.broadcast %mul3A_51 : f32 to vector<2000x128xf32>
    %mul3A_53 = arith.mulf %mul3A_52, %sub3A_50 : vector<2000x128xf32>
    %select_n3A = arith.select %gt3A_48, %concatenate3A, %mul3A_53 : vector<2000x128xi1>, vector<2000x128xf32>
    %mul3A_54 = arith.constant 1.05070102 : f32
    %mul3A_55 = vector.broadcast %mul3A_54 : f32 to vector<2000x128xf32>
    %mul3A_56 = arith.mulf %mul3A_55, %select_n3A : vector<2000x128xf32>
    %get3A_57 = arith.constant 0 : index
    %get3A_58 = arith.constant 0 : index
    %get3A_59 = vector.load %arg5[%get3A_57, %get3A_58] : memref<128x64xf32, #tpu.memory_space<vmem>>, vector<128x64xf32>
    %dot_general3A = arith.constant dense<0.000000e+00> : vector<2000x64xf32>
    %dot_general3A_60 = tpu.matmul %mul3A_56, %get3A_59, %dot_general3A {dimension_numbers = #tpu.dot_dimension_numbers<[1], [0], [0], [1], [0, 0, 1, 1], [], []>, transpose_lhs_hint = false} : vector<2000x128xf32>, vector<128x64xf32>, vector<2000x64xf32> -> vector<2000x64xf32>
    %mul3A_61 = vector.broadcast %rsqrt3A : vector<2000x1xf32> to vector<2000x64xf32>
    %mul3A_62 = arith.mulf %dot_general3A_60, %mul3A_61 : vector<2000x64xf32>
    %swap3A = arith.constant 0 : index
    %swap3A_63 = arith.constant 0 : index
    %swap3A_64 = vector.load %arg6[%swap3A, %swap3A_63] : memref<2000x64xf32, #tpu.memory_space<vmem>>, vector<2000x64xf32>
    tpu.vector_store %arg6[%swap3A, %swap3A_63], %mul3A_62 {strides = array<i32>} : memref<2000x64xf32, #tpu.memory_space<vmem>>, vector<2000x64xf32>,
    return
  }
  func.func @transform_0(%arg0: i32) -> (i32, i32, i32) {
    %c0_i32 = arith.constant 0 : i32
    %c0_i32_0 = arith.constant 0 : i32
    %c0_i32_1 = arith.constant 0 : i32
    return %c0_i32, %arg0, %c0_i32_0 : i32, i32, i32
  }
  func.func @transform_1(%arg0: i32) -> (i32, i32, i32) {
    %c0_i32 = arith.constant 0 : i32
    %c0_i32_0 = arith.constant 0 : i32
    %c0_i32_1 = arith.constant 0 : i32
    return %c0_i32, %arg0, %c0_i32_0 : i32, i32, i32
  }
  func.func @transform_2(%arg0: i32) -> (i32, i32, i32) {
    %c0_i32 = arith.constant 0 : i32
    %c0_i32_0 = arith.constant 0 : i32
    %c0_i32_1 = arith.constant 0 : i32
    return %c0_i32, %arg0, %c0_i32_0 : i32, i32, i32
  }
  func.func @transform_3(%arg0: i32) -> (i32, i32, i32) {
    %c0_i32 = arith.constant 0 : i32
    %c0_i32_0 = arith.constant 0 : i32
    %c0_i32_1 = arith.constant 0 : i32
    %c0_i32_2 = arith.constant 0 : i32
    return %c0_i32, %c0_i32_0, %c0_i32_1 : i32, i32, i32
  }
  func.func @transform_4(%arg0: i32) -> (i32, i32) {
    %c0_i32 = arith.constant 0 : i32
    %c0_i32_0 = arith.constant 0 : i32
    %c0_i32_1 = arith.constant 0 : i32
    return %c0_i32, %c0_i32_0 : i32, i32
  }
  func.func @transform_5(%arg0: i32) -> (i32, i32) {
    %c0_i32 = arith.constant 0 : i32
    %c0_i32_0 = arith.constant 0 : i32
    return %arg0, %c0_i32 : i32, i32
  }
}

module attributes {stable_mosaic.version = 14 : i64} {
  func.func @_tc_stage3(%arg0: i32, %arg1: memref<2x2000x64xf32, #tpu.memory_space<vmem>>, %arg2: memref<2000x64xf32, #tpu.memory_space<vmem>>, %arg3: memref<2x2000x16xf32, #tpu.memory_space<vmem>>, %arg4: memref<1x64xf32, #tpu.memory_space<vmem>>, %arg5: memref<2000x64xf32, #tpu.memory_space<vmem>>) attributes {dimension_semantics = [#tpu.dimension_semantics<arbitrary>], iteration_bounds = array<i64: 5>, scalar_prefetch = 0 : i64, scratch_operands = 0 : i64, tpu.core_type = #tpu.core_type<tc>, window_params = [{transform_indices = @transform_0, window_bounds = array<i64: 2, 2000, 64>}, {transform_indices = @transform_1, window_bounds = array<i64: 2000, 64>}, {transform_indices = @transform_2, window_bounds = array<i64: 2, 2000, 16>}, {pipeline_mode = #tpu.pipeline_mode<synchronous>, transform_indices = @transform_3, window_bounds = array<i64: 1, 64>}, {transform_indices = @transform_4, window_bounds = array<i64: 2000, 64>}]} {
    %get3A = arith.constant 0 : index
    %get3A_0 = arith.constant 0 : index
    %get3A_1 = arith.constant 0 : index
    %get3A_2 = vector.load %arg3[%get3A, %get3A_0, %get3A_1] : memref<2x2000x16xf32, #tpu.memory_space<vmem>>, vector<2x2000x16xf32>
    %slice3A = vector.extract_strided_slice %get3A_2 {offsets = [0, 0, 0], sizes = [1, 2000, 1], strides = [1, 1, 1]} : vector<2x2000x16xf32> to vector<1x2000x1xf32>
    %squeeze3A = vector.shape_cast %slice3A : vector<1x2000x1xf32> to vector<2000x1xf32>
    %slice3A_3 = vector.extract_strided_slice %get3A_2 {offsets = [1, 0, 0], sizes = [1, 2000, 1], strides = [1, 1, 1]} : vector<2x2000x16xf32> to vector<1x2000x1xf32>
    %squeeze3A_4 = vector.shape_cast %slice3A_3 : vector<1x2000x1xf32> to vector<2000x1xf32>
    %add3A = arith.addf %squeeze3A, %squeeze3A_4 : vector<2000x1xf32>
    %add3A_5 = arith.constant 1.000000e+00 : f32
    %add3A_6 = vector.broadcast %add3A_5 : f32 to vector<2000x1xf32>
    %add3A_7 = arith.addf %add3A, %add3A_6 : vector<2000x1xf32>
    %rsqrt3A = math.rsqrt %add3A_7 : vector<2000x1xf32>
    %get3A_8 = arith.constant 0 : index
    %get3A_9 = arith.constant 0 : index
    %get3A_10 = arith.constant 0 : index
    %get3A_11 = vector.load %arg1[%get3A_8, %get3A_9, %get3A_10] : memref<2x2000x64xf32, #tpu.memory_space<vmem>>, vector<1x2000x64xf32>
    %get3A_12 = vector.shape_cast %get3A_11 : vector<1x2000x64xf32> to vector<2000x64xf32>
    %get3A_13 = arith.constant 1 : index
    %get3A_14 = arith.constant 0 : index
    %get3A_15 = arith.constant 0 : index
    %get3A_16 = vector.load %arg1[%get3A_13, %get3A_14, %get3A_15] : memref<2x2000x64xf32, #tpu.memory_space<vmem>>, vector<1x2000x64xf32>
    %get3A_17 = vector.shape_cast %get3A_16 : vector<1x2000x64xf32> to vector<2000x64xf32>
    %add3A_18 = arith.addf %get3A_12, %get3A_17 : vector<2000x64xf32>
    %get3A_19 = arith.constant 0 : index
    %get3A_20 = arith.constant 0 : index
    %get3A_21 = vector.load %arg2[%get3A_19, %get3A_20] : memref<2000x64xf32, #tpu.memory_space<vmem>>, vector<2000x64xf32>
    %add3A_22 = arith.addf %add3A_18, %get3A_21 : vector<2000x64xf32>
    %mul3A = vector.broadcast %rsqrt3A : vector<2000x1xf32> to vector<2000x64xf32>
    %mul3A_23 = arith.mulf %mul3A, %add3A_22 : vector<2000x64xf32>
    %get3A_24 = arith.constant 0 : index
    %get3A_25 = arith.constant 0 : index
    %get3A_26 = vector.load %arg4[%get3A_24, %get3A_25] : memref<1x64xf32, #tpu.memory_space<vmem>>, vector<1x64xf32>
    %add3A_27 = vector.broadcast %get3A_26 : vector<1x64xf32> to vector<2000x64xf32>
    %add3A_28 = arith.addf %mul3A_23, %add3A_27 : vector<2000x64xf32>
    %swap3A = arith.constant 0 : index
    %swap3A_29 = arith.constant 0 : index
    %swap3A_30 = vector.load %arg5[%swap3A, %swap3A_29] : memref<2000x64xf32, #tpu.memory_space<vmem>>, vector<2000x64xf32>
    tpu.vector_store %arg5[%swap3A, %swap3A_29], %add3A_28 {strides = array<i32>} : memref<2000x64xf32, #tpu.memory_space<vmem>>, vector<2000x64xf32>,
    return
  }
  func.func @transform_0(%arg0: i32) -> (i32, i32, i32) {
    %c0_i32 = arith.constant 0 : i32
    %c0_i32_0 = arith.constant 0 : i32
    %c0_i32_1 = arith.constant 0 : i32
    return %c0_i32, %arg0, %c0_i32_0 : i32, i32, i32
  }
  func.func @transform_1(%arg0: i32) -> (i32, i32) {
    %c0_i32 = arith.constant 0 : i32
    %c0_i32_0 = arith.constant 0 : i32
    return %arg0, %c0_i32 : i32, i32
  }
  func.func @transform_2(%arg0: i32) -> (i32, i32, i32) {
    %c0_i32 = arith.constant 0 : i32
    %c0_i32_0 = arith.constant 0 : i32
    %c0_i32_1 = arith.constant 0 : i32
    return %c0_i32, %arg0, %c0_i32_0 : i32, i32, i32
  }
  func.func @transform_3(%arg0: i32) -> (i32, i32) {
    %c0_i32 = arith.constant 0 : i32
    %c0_i32_0 = arith.constant 0 : i32
    %c0_i32_1 = arith.constant 0 : i32
    return %c0_i32, %c0_i32_0 : i32, i32
  }
  func.func @transform_4(%arg0: i32) -> (i32, i32) {
    %c0_i32 = arith.constant 0 : i32
    %c0_i32_0 = arith.constant 0 : i32
    return %arg0, %c0_i32 : i32, i32
  }
}

</mosaic_0001>

<sc_bundles>
// kernel: kernel.12.cloned.1.call-start
scs
__scs_entry_jumppad:
0x0: {  	(pc) =	sbr.rel $0x88, $3  }
0x1: {  	(tag) =	ssettag $0x0;
	lr =	simm.s32 $0x1  }
0x2: {  	[smem:$0x3F9B] =	sst lr;
	_ =	strace $0xD0000000  }
0x3: {  	_ = 	snop  }
0x4: {  	_ = 	snop  }
0x5: {  	_ = 	snop  }
0x6: {  	_ = 	snop  }
0x7: {  	_ = 	snop  }
__scs_overlays_trampoline_lowered:
0x8: {  	[smem:$0x3FAA] =	sst s0  }
0x9: {  	[smem:$0x3FAB] =	sst s1  }
0xa: {  	[smem:$0x3FAC] =	sst s2  }
0xb: {  	[smem:$0x3FAD] =	sst s3  }
0xc: {  	[smem:$0x3FAE] =	sst s4  }
0xd: {  	[smem:$0x3FAF] =	sst s5  }
0xe: {  	[smem:$0x3FB0] =	sst s6  }
0xf: {  	[smem:$0x3FB1] =	sst s7  }
0x10: {  	[smem:$0x3FB2] =	sst s8  }
0x11: {  	[smem:$0x3FB3] =	sst s9;
	s0 =	simm.s32 @!p0 $0x0  }
0x12: {  	s1 =	sld [smem:$0x3F99];
	s0 =	simm.s32 @p0 $0x1  }
0x13: {  	[smem:$0x3FB4] =	sst s0;
	s0 =	simm.s32 @!p1 $0x0  }
0x14: {  	s2 =	sld [smem:$0x3F98];
	s0 =	simm.s32 @p1 $0x1  }
0x15: {  	[smem:$0x3FB5] =	sst s0;
	s0 =	simm.s32 @!p2 $0x0  }
0x16: {  	s3 =	sld [smem:$0x3FDB];
	s0 =	simm.s32 @p2 $0x1  }
0x17: {  	s4 =	simm.s32 $0x1BF5;
	[smem:$0x3FB7] =	sst s0  }
0x18: {  	s0 =	sld [smem:$0x3F9A];
	_ =	swait.ge [sflag:s4], $0x0  }
0x19: {  	s7 =	sld [smem:$0x3F9B]  }
0x1a: {  	s8 =	sadd.s32 $0xFFFFE003, lr  }
0x1b: {  	s9 =	sadd.s32 $0xFFFFFEF7, lr;
	s5 =	simm.s32 $0xFFFFFFFF;
	p2 =	slt.u32 s8, $0xFFFFF086  }
0x1c: {  	p1 =	slt.u32 s9, $0xF7A;
	s5 =	simm.s32 @!p2 $0x0  }
0x1d: {  	s5 =	simm.s32 @p1 $0x1;
	p0 =	seq.s32 s7, s2  }
0x1e: {  	s7 =	smul.u32 @!p0 $0xF7A, s2;
	p2 =	seq.s32 @!p0 s5, $0x0  }
0x1f: {  	s9 =	smul.u32 $0xF7A, s1;
	s8 =	simm.s32 @!p0 $0x1BF5;
	p2 =	por !p2, p0  }
0x20: {  	[sflag:s8] =	ssyncset.s32 @!p0 $0xFFFFF086;
	s6 =	sadd.s32 @!p0 s3, s7;
	s7 =	simm.s32 @!p0 $0x108  }
0x21: {  	s3 =	sadd.s32 s3, s9;
	s6 =	sadd.s32 @!p0 $0x88, s6;
	s7 =	simm.s32 @p2 $0x1082  }
0x22: {  	[simem:s7], [sflag:s8] =	dma.local @!p0 [hbm:s6], $0xF7A  }
0x23: {  	s9 =	sor.u32 $0xD0000000, s2;
	s6 =	simm.s32 $0x108;
	_ =	swait.ge @!p0 [sflag:s8], $0x0  }
0x24: {  	s3 =	sadd.s32 $0x88, s3;
	s6 =	simm.s32 @!p1 $0x1082;
	[sflag:s4] =	ssyncset.s32 $0xFFFFF086  }
0x25: {  	[simem:s6], [sflag:s4] =	dma.local [hbm:s3], $0xF7A  }
0x26: {  	[smem:$0x3F9B] =	sst s1;
	(tag) =	ssettag s2;
	_ =	strace s9  }
0x27: {  	s1 =	sld [smem:$0x3FAB]  }
0x28: {  	s2 =	sld [smem:$0x3FAC]  }
0x29: {  	s4 =	sld [smem:$0x3FAE]  }
0x2a: {  	p0 =	seq.s32 s5, $0x0;
	s5 =	sld [smem:$0x3FAF]  }
0x2b: {  	s6 =	sld [smem:$0x3FB0]  }
0x2c: {  	s7 =	sld [smem:$0x3FB1]  }
0x2d: {  	s3 =	simm.s32 $0x108;
	s8 =	sld [smem:$0x3FB2]  }
0x2e: {  	s3 =	simm.s32 @!p0 $0x1082;
	s9 =	sld [smem:$0x3FB3]  }
0x2f: {  	lr =	sadd.s32 s0, s3;
	s0 =	sld [smem:$0x3FAA]  }
0x30: {  	s3 =	sld [smem:$0x3FAD]  }
0x31: {  	[smem:$0x3FB6] =	sst s10  }
0x32: {  	s10 =	sld [smem:$0x3FB4];
	_ =	sdelay $0x3  }
0x33: {  	p0 =	seq.s32 s10, $0x1;
	s10 =	sld [smem:$0x3FB6];
	_ =	sdelay $0x3  }
0x34: {  	[smem:$0x3FB6] =	sst s10  }
0x35: {  	s10 =	sld [smem:$0x3FB5];
	_ =	sdelay $0x3  }
0x36: {  	p1 =	seq.s32 s10, $0x1;
	s10 =	sld [smem:$0x3FB6];
	_ =	sdelay $0x3  }
0x37: {  	[smem:$0x3FB6] =	sst s10  }
0x38: {  	s10 =	sld [smem:$0x3FB7]  }
0x39: {  	_ = 	snop;
	(pc) =	sbr.ind lr, $3  }
0x3a: {  	_ = 	snop  }
0x3b: {  	_ = 	snop  }
0x3c: {  	p2 =	seq.s32 s10, $0x1;
	s10 =	sld [smem:$0x3FB6]  }
0x3d: {  	_ =	shalt  }
0x3e: {  	_ =	shalt  }
0x3f: {  	_ =	shalt  }
0x40: {  	_ =	shalt  }
0x41: {  	_ =	shalt  }
0x42: {  	_ =	shalt  }
0x43: {  	_ =	shalt  }
0x44: {  	_ =	shalt  }
0x45: {  	_ =	shalt  }
0x46: {  	_ =	shalt  }
0x47: {  	_ =	shalt  }
0x48: {  	_ =	shalt  }
0x49: {  	_ =	shalt  }
0x4a: {  	_ =	shalt  }
0x4b: {  	_ =	shalt  }
0x4c: {  	_ =	shalt  }
0x4d: {  	_ =	shalt  }
0x4e: {  	_ =	shalt  }
0x4f: {  	_ =	shalt  }
0x50: {  	_ =	shalt  }
0x51: {  	_ =	shalt  }
0x52: {  	_ =	shalt  }
0x53: {  	_ =	shalt  }
0x54: {  	_ =	shalt  }
0x55: {  	_ =	shalt  }
0x56: {  	_ =	shalt  }
0x57: {  	_ =	shalt  }
0x58: {  	_ =	shalt  }
0x59: {  	_ =	shalt  }
0x5a: {  	_ =	shalt  }
0x5b: {  	_ =	shalt  }
0x5c: {  	_ =	shalt  }
0x5d: {  	_ =	shalt  }
0x5e: {  	_ =	shalt  }
0x5f: {  	_ =	shalt  }
0x60: {  	_ =	shalt  }
0x61: {  	_ =	shalt  }
0x62: {  	_ =	shalt  }
0x63: {  	_ =	shalt  }
0x64: {  	_ =	shalt  }
0x65: {  	_ =	shalt  }
0x66: {  	_ =	shalt  }
0x67: {  	_ =	shalt  }
0x68: {  	_ =	shalt  }
0x69: {  	_ =	shalt  }
0x6a: {  	_ =	shalt  }
0x6b: {  	_ =	shalt  }
0x6c: {  	_ =	shalt  }
0x6d: {  	_ =	shalt  }
0x6e: {  	_ =	shalt  }
0x6f: {  	_ =	shalt  }
0x70: {  	_ =	shalt  }
0x71: {  	_ =	shalt  }
0x72: {  	_ =	shalt  }
0x73: {  	_ =	shalt  }
0x74: {  	_ =	shalt  }
0x75: {  	_ =	shalt  }
0x76: {  	_ =	shalt  }
0x77: {  	_ =	shalt  }
0x78: {  	_ =	shalt  }
0x79: {  	_ =	shalt  }
0x7a: {  	_ =	shalt  }
0x7b: {  	_ =	shalt  }
0x7c: {  	_ =	shalt  }
0x7d: {  	_ =	shalt  }
0x7e: {  	_ =	shalt  }
0x7f: {  	_ =	shalt  }
0x80: {  	_ =	shalt  }
0x81: {  	_ =	shalt  }
0x82: {  	_ =	shalt  }
0x83: {  	_ =	shalt  }
0x84: {  	_ =	shalt  }
0x85: {  	_ =	shalt  }
0x86: {  	_ =	shalt  }
0x87: {  	_ =	shalt  }
.Lfunc_end0:
.L_simem_size_0:
called_computation.1_lowered:
.L_overlay_start_0:
0x88: {  	s2 =	sld [smem:$0x3FD9]  }
0x89: {  	s3 =	sld [smem:$0x3FFE];
	_ =	sdelay $0x1  }
0x8a: {  	s1 =	srdreg.scid  }
0x8b: {  	s0 =	sand.u32 $0x1, s1  }
0x8c: {  	s17 =	sshll.u32 s0, $0xA;
	s2 =	sadd.s32 s3, s2  }
0x8d: {  	s2 =	sadd.s32 s2, s17  }
0x8e: {  	[smem:$0x3FC2] =	sst s2  }
0x8f: {  	_ = 	snop  }
0x90: {  	s2 =	sld [smem:$0x3FD0];
	(tm) =	ssettm $0x1  }
0x91: {  	s18 =	sld [smem:$0x3FFB];
	_ =	sdelay $0x3  }
0x92: {  	_ =	strace s18  }
0x93: {  	s3 =	sld [smem:$0x3FFC];
	_ =	sdelay $0x3  }
0x94: {  	_ =	strace s3  }
0x95: {  	s3 =	sld [smem:$0x3FFD];
	_ =	sdelay $0x3  }
0x96: {  	_ =	strace s3  }
0x97: {  	_ =	strace $0x8FFFFFFF  }
0x98: {  	s19 =	sld [smem:$0x3FDB];
	_ =	sdelay $0x1  }
0x99: {  	s4 =	simm.s32 $_scs_section_size  }
0x9a: {  	s5 =	simm.s32 $_size__tile_overlayer_lowered;
	s6 =	simm.s32 $_tile_overlayer_lowered  }
0x9b: {  	s22 =	simm.s32 $0x1BFF;
	s21 =	sshll.u32 s6, $0x1;
	s3 =	sadd.s32 s4, s19  }
0x9c: {  	s7 =	simm.s32 $0x0;
	s20 =	sshll.u32 s5, $0x1;
	s5 =	sadd.s32 s21, s3  }
0x9d: {  	[timem:s7], [sflag:s22] =	dma.local [hbm:s5], s20  }
0x9e: {  	_ =	swait.ge [sflag:s22], s20  }
0x9f: {  	s4 =	ssub.s32 $0x0, s20;
	[sflag:s22] =	ssyncset.done $0x0  }
0xa0: {  	[sflag:s22] =	ssyncadd.s32 s4;
	_ =	sdelay $0x1  }
0xa1: {  	s23 =	simm.s32 $0x1B8B  }
0xa2: {  	_ =	swait.ge [sflag:s23], $0x1  }
0xa3: {  	[sflag:s23] =	ssyncset.done $0x0  }
0xa4: {  	s25 =	simm.s32 $0x1B8E;
	s24 =	sld [smem:$0x3FFE];
	[sflag:s23] =	ssyncadd.s32 $0xFFFFFFFF  }
0xa5: {  	s26 =	simm.s32 $execute0_lowered;
	[smem:$0x3FD2] =	sst s25  }
0xa6: {  	s5 =	sshll.u32 s26, $0x1;
	_ =	strace $0x80000049;
	[dreg:$0x1] =	wrdreg $0xFFFFFFFF  }
0xa7: {  	s28 =	simm.s32 $_size_execute0_lowered;
	s3 =	sadd.s32 s3, s5;
	[dreg:$0x0] =	wrdreg $0x0  }
0xa8: {  	s5 =	sshll.u32 s28, $0x1;
	[dreg:$0x2] =	wrdreg s3  }
0xa9: {  	[dreg:$0x3] =	wrdreg s5  }
0xaa: {  	[dreg:$0x4] =	wrdreg $0xC0  }
0xab: {  	_ =	task [dreg:s7], $0x5FFFF  }
0xac: {  	[dreg:$0x1] =	wrdreg $0xFFFFFFFF  }
0xad: {  	[dreg:$0x0] =	wrdreg $0x60  }
0xae: {  	[dreg:$0x2] =	wrdreg s24  }
0xaf: {  	[dreg:$0x3] =	wrdreg s2  }
0xb0: {  	[dreg:$0x4] =	wrdreg $0x11D000  }
0xb1: {  	[dreg:$0x5] =	wrdreg $0x9  }
0xb2: {  	_ =	task.clear_ibuf [dreg:s7], $0x6FFFF;
	_ =	strace $0x90000049  }
0xb3: {  	s29 =	simm.s32 $0x9;
	_ =	strace $0x8000004B  }
0xb4: {  	_ =	swait.ge [sflag:s29], $0x1  }
0xb5: {  	[sflag:s29] =	ssyncadd.s32 $0xFFFFFFFF  }
0xb6: {  	_ =	strace $0x9000004B  }
0xb7: {  	_ =	sfence  }
0xb8: {  	s30 =	sld [smem:$0x0];
	_ =	sdelay $0x2  }
0xb9: {  	s31 =	sshll.u32 s1, $0xD;
	s1 =	sshrl.u32 s1, $0x2  }
0xba: {  	s3 =	sand.u32 $0x4000, s31;
	s1 =	sadd.s32 s1, s30  }
0xbb: {  	s0 =	sor.u32 s3, s0;
	s1 =	sshll.u32 s1, $0x11  }
0xbc: {  	s0 =	sor.u32 s1, s0  }
0xbd: {  	s0 =	sadd.s32 $0x8F2B, s0  }
0xbe: {  	[sflag:s0] =	ssyncadd.remote.s32 $0x1  }
0xbf: {  	_ =	sfence.sel $0xFFFF  }
0xc0: {  	[dreg:$0x0] =	wrdreg $0xFFFFFFFF;
	(pc) =	sbr.abs _section_cstart, $3  }
0xc1: {  	[dreg:$0x1] =	wrdreg $0xFFFFFFFF  }
0xc2: {  	_ =	task.clear_ibuf [dreg:s7], $0x2FFFF;
	_ =	strace $0x9FFFFFFF  }
0xc3: {  	(tm) =	ssettm $0x7FFFFFFF  }
tec
execute0_lowered:
.L_overlay_start_1:
0x0: {  	(tag) =	ssettag $0x1  }
0x1: {  	s4 =	rddreg [dreg:$0x0]  }
0x2: {  	s5 =	rddreg [dreg:$0x1]  }
0x3: {  	s1 =	rddreg [dreg:$0x2]  }
0x4: {  	s2 =	srdreg.scid;
	s3 =	simm.s32 $0x0;
	s0 =	stileid.u32  }
0x5: {  	s14 =	simm.s32 $0x7D;
	s15 =	simm.s32 $0xA000;
	s16 =	simm.s32 $0x80  }
0x6: {  	s17 =	simm.s32 $0xBF40;
	s18 =	simm.s32 $0x100;
	s19 =	simm.s32 $0xDE80  }
0x7: {  	s20 =	simm.s32 $0x1;
	s21 =	simm.s32 $0x180;
	s22 =	simm.s32 $0xFDC0  }
0x8: {  	s23 =	simm.s32 $0x2;
	s24 =	simm.s32 $0x0;
	s8 =	smul.u32 $0x9C40, s0  }
0x9: {  	s6 =	sand.u32 $0x1, s2;
	[smem:$0x7FF] =	sst s3;
	s10 =	smul.u32 $0xA00, s0  }
0xa: {  	s31 =	sshll.u32 s0, $0x6;
	s7 =	smul.u32 $0x9C400, s6;
	s6 =	ssub.s32 $0x2, s6  }
0xb: {  	_ =	strace $0x8000004A;
	s11 =	sshrl.u32 s6, $0x1;
	s10 =	sadd.s32 s10, s4  }
0xc: {  	s13 =	sadd.s32 s8, s1;
	s9 =	sshrl.u32 s7, $0x3;
	s7 =	sadd.s32 s8, s7  }
0xd: {  	s30 =	sshrl.u32 s8, $0x3;
	s11 =	ssub.s32 s6, s11;
	s7 =	sshrl.u32 s7, $0x3  }
0xe: {  	s6 =	sadd.s32 $0x10800, s10;
	s9 =	sadd.s32 s9, s4;
	s12 =	sadd.s32 s7, s4  }
0xf: {  	s4 =	sadd.s32 s5, s30;
	s5 =	sor.u32 $0x1C03, s31;
	s7 =	sadd.s32 $0x1A800, s10  }
0x10: {  	s8 =	sadd.s32 $0xC0C00, s9;
	s10 =	smax.u32 s11, $0x1;
	s11 =	sshrl.u32 s13, $0x3  }
0x11: {  	s13 =	simm.s32 $0x5000;
	s9 =	sadd.s32 $0xE7E00, s12;
	s12 =	simm.s32 $0x3  }
.LBB2_1:
0x12: {  	[spmem:s11], [sflag:s5] =	dma.local [hbm:s4], $0x1388  }
0x13: {  	_ =	swait.ge [sflag:s12], $0x1388  }
0x14: {  	[sflag:s12] =	ssyncset.done $0x0  }
0x15: {  	[sflag:s12] =	ssyncadd.s32 $0xFFFFEC78  }
0x16: {  	[tilespmem:s3], [sflag:$0x3] =	stream.linear.gather [hbm4b:s6+s3], $0x5000, $0x38;
	[tilespmem:$0x1B940] =	vst v63  }
0x17: {  	_ =	swait.ge [sflag:s12], $0x5000  }
0x18: {  	[sflag:s12] =	ssyncset.done $0x0  }
0x19: {  	[sflag:s12] =	ssyncadd.s32 $0xFFFFB000  }
0x1a: {  	[tilespmem:s13], [sflag:$0x3] =	stream.linear.gather [hbm4b:s7+s3], $0x5000, $0x38;
	[tilespmem:$0x1B940] =	vst v63  }
0x1b: {  	_ =	swait.ge [sflag:s12], $0x5000  }
0x1c: {  	[sflag:s12] =	ssyncset.done $0x0  }
0x1d: {  	[sflag:s12] =	ssyncadd.s32 $0xFFFFB000  }
0x1e: {  	[bflag:$0x0] =	sbarrier.arrive $0xFFFF  }
0x1f: {  	[tilespmem:s15], [sflag:$0x1] =	stream.indirect.gather [hbm4b:s8+s14], $0x40, s3, s14, $0xb8;
	[tilespmem:$0x1B940] =	vst v63  }
0x20: {  	_ = 	snop  }
0x21: {  	[tilespmem:s17], [sflag:$0x1] =	stream.indirect.gather [hbm4b:s8+s14], $0x40, s16, s14, $0xb8;
	[tilespmem:$0x1B940] =	vst v63  }
0x22: {  	_ = 	snop  }
0x23: {  	[tilespmem:s19], [sflag:$0x1] =	stream.indirect.gather [hbm4b:s8+s14], $0x40, s18, s14, $0xb8;
	[tilespmem:$0x1B940] =	vst v63  }
0x24: {  	_ =	swait.ge [sflag:s20], $0x1F40  }
0x25: {  	s25 =	simm.s32 $0x1;
	[sflag:s20] =	ssyncset.done $0x0  }
0x26: {  	s25 =	sand.u32 $0x3, s25;
	[sflag:s20] =	ssyncadd.s32 $0xFFFFE0C0  }
0x27: {  	[spmem:s1] =	stream.indirect.scatter.add.f32 [tilespmem:s15], [sflag:$0x2], $0x40, s13, s14, $0xb8;
	[tilespmem:$0x1B940] =	vst v63  }
0x28: {  	s26 =	simm.s32 $0x4;
	s28 =	smul.u32 $0x7D00, s25  }
0x29: {  	[tilespmem:s22], [sflag:$0x1] =	stream.indirect.gather [hbm4b:s8+s14], $0x40, s21, s14, $0xb8;
	[tilespmem:$0x1B940] =	vst v63  }
0x2a: {  	s29 =	simm.s32 $0x5080;
	p0 =	por $0x0, $0x0;
	_ =	swait.ge [sflag:s20], $0x1F40  }
0x2b: {  	s30 =	sand.u32 @!p0 $0x3, s26;
	s28 =	sshrl.u32 s28, $0x2;
	[sflag:s20] =	ssyncset.done $0x0  }
0x2c: {  	s30 =	smul.u32 @!p0 $0x7D00, s30;
	s28 =	sadd.s32 $0xA000, s28;
	[sflag:s20] =	ssyncadd.s32 $0xFFFFE0C0  }
0x2d: {  	[spmem:s1] =	stream.indirect.scatter.add.f32 [tilespmem:s28], [sflag:$0x2], $0x40, s29, s14, $0xb8;
	[tilespmem:$0x1B940] =	vst v63  }
0x2e: {  	s26 =	simm.s32 $0x5;
	s25 =	simm.s32 $0x200;
	_ =	swait.ge [sflag:s23], $0x1F40  }
0x2f: {  	s31 =	sshrl.u32 @!p0 s30, $0x2;
	s30 =	simm.s32 @!p0 $0x7D;
	[sflag:s23] =	ssyncset.done $0x0  }
0x30: {  	s28 =	simm.s32 $0x280;
	s29 =	simm.s32 $0x5100;
	[sflag:s23] =	ssyncadd.s32 $0xFFFFE0C0  }
.LBB2_2:
0x31: {  	s0 =	sadd.s32 $0xFFFFFFFD, s26  }
0x32: {  	s31 =	sadd.s32 @!p0 $0xA000, s31;
	s2 =	smov.u32 s26;
	s26 =	sadd.s32 $0x1, s26  }
0x33: {  	[tilespmem:s31], [sflag:$0x1] =	stream.indirect.gather @!p0 [hbm4b:s8+s30], $0x40, s25, s30, $0xb8;
	[tilespmem:$0x1B940] =	vst v63  }
0x34: {  	s30 =	sand.u32 $0x3, s0;
	p1 =	sne.s32 s26, $0xA3;
	s25 =	smov.u32 s28  }
0x35: {  	s30 =	smul.u32 $0x7D00, s30  }
0x36: {  	p0 =	sgt.u32 s0, $0x9C;
	_ =	swait.ge [sflag:s20], $0x1F40  }
0x37: {  	s2 =	sand.u32 @!p0 $0x3, s2;
	s30 =	sshrl.u32 s30, $0x2;
	[sflag:s20] =	ssyncset.done $0x0  }
.Ltmp0:
0x38: {  	s0 =	sadd.s32 $0xA000, s30;
	[sflag:s20] =	ssyncadd.s32 $0xFFFFE0C0;
	(pc) =	sbr.rel @p1 .LBB2_2-.Ltmp0, $4  }
0x39: {  	[spmem:s1] =	stream.indirect.scatter.add.f32 [tilespmem:s0], [sflag:$0x2], $0x40, s29, s14, $0xb8;
	[tilespmem:$0x1B940] =	vst v63  }
0x3a: {  	s0 =	smul.u32 @!p0 $0x7D00, s2;
	_ =	swait.ge [sflag:s23], $0x1F40  }
0x3b: {  	s28 =	sadd.s32 $0x80, s28;
	s29 =	sadd.s32 $0x80, s29;
	[sflag:s23] =	ssyncset.done $0x0  }
0x3c: {  	s30 =	simm.s32 @!p0 $0x7D;
	s31 =	sshrl.u32 @!p0 s0, $0x2;
	[sflag:s23] =	ssyncadd.s32 $0xFFFFE0C0  }
0x3d: {  	s0 =	sadd.s32 @!p0 $0xA000, s31  }
0x3e: {  	[tilespmem:s0], [sflag:$0x1] =	stream.indirect.gather @!p0 [hbm4b:s8+s30], $0x40, s25, s30, $0xb8;
	[tilespmem:$0x1B940] =	vst v63  }
0x3f: {  	_ =	swait.ge [sflag:s23], $0x1F40  }
0x40: {  	s24 =	sadd.s32 $0x1, s24;
	[sflag:s23] =	ssyncset.done $0x0  }
0x41: {  	p0 =	sne.s32 s24, s10;
	[sflag:s23] =	ssyncadd.s32 $0xFFFFE0C0  }
.Ltmp1:
0x42: {  	[bflag:$0x0] =	sbarrier.arrive $0xFFFF;
	(pc) =	sbr.rel @p0 .LBB2_1-.Ltmp1, $4  }
0x43: {  	[hbm:s9], [sflag:s5] =	dma.local [spmem:s11], $0x1388  }
0x44: {  	_ =	swait.ge [sflag:s12], $0x1388  }
0x45: {  	[sflag:s12] =	ssyncset.done $0x0  }
0x46: {  	[sflag:s12] =	ssyncadd.s32 $0xFFFFEC78  }
0x47: {  	_ =	sfence.sel $0x180000  }
0x48: {  	[bflag:$0x0] =	sbarrier.arrive $0xFFFF  }
0x49: {  	_ =	strace $0x9000004A  }
0x4a: {  	s0 =	stileid.u32;
	[bflag:$0x2] =	sbarrier.arrive $0xFFFF  }
0x4b: {  	p0 =	sne.s32 s0, $0x0;
	s0 =	rddreg [dreg:$0x3]  }
0x4c: {  	s0 =	sadd.s32 @!p0 $0x100000, s0  }
0x4d: {  	[sflag:s0] =	ssyncadd.tile.s32 @!p0 $0x1;
	_ =	shalt  }
.Lfunc_end2:
_tile_overlayer_lowered:
.L_overlay_start_2:
0x4e: {  	(tag) =	ssettag $0x2  }
0x4f: {  	s0 =	rddreg [dreg:$0x0];
	s2 =	stileid.u32  }
0x50: {  	s1 =	rddreg [dreg:$0x1];
	p0 =	sne.s32 s2, $0x0  }
0x51: {  	s3 =	rddreg [dreg:$0x2];
	[bflag:$0x3] =	sbarrier.arrive $0xFFFF;
	s2 =	simm.s32 @!p0 $0x1C03  }
0x52: {  	[timem:s3], [sflag:s2] =	dma.local @!p0 [hbm:s0], s1  }
0x53: {  	s0 =	simm.s32 @!p0 $0x3  }
0x54: {  	_ =	swait.ge @!p0 [sflag:s0], s1  }
0x55: {  	s1 =	ssub.s32 @!p0 $0x0, s1;
	[sflag:s0] =	ssyncset.done @!p0 $0x0  }
0x56: {  	[sflag:s0] =	ssyncadd.s32 @!p0 s1  }
0x57: {  	[bflag:$0x3] =	sbarrier.arrive $0xFFFF  }
0x58: {  	_ =	shalt  }

// kernel: kernel.15.cloned.1.call-start
scs
__scs_entry_jumppad:
0x0: {  	(pc) =	sbr.rel $0x88, $3  }
0x1: {  	(tag) =	ssettag $0x0;
	lr =	simm.s32 $0x1  }
0x2: {  	[smem:$0x3F9B] =	sst lr;
	_ =	strace $0xD0000000  }
0x3: {  	_ = 	snop  }
0x4: {  	_ = 	snop  }
0x5: {  	_ = 	snop  }
0x6: {  	_ = 	snop  }
0x7: {  	_ = 	snop  }
__scs_overlays_trampoline_lowered:
0x8: {  	[smem:$0x3FAA] =	sst s0  }
0x9: {  	[smem:$0x3FAB] =	sst s1  }
0xa: {  	[smem:$0x3FAC] =	sst s2  }
0xb: {  	[smem:$0x3FAD] =	sst s3  }
0xc: {  	[smem:$0x3FAE] =	sst s4  }
0xd: {  	[smem:$0x3FAF] =	sst s5  }
0xe: {  	[smem:$0x3FB0] =	sst s6  }
0xf: {  	[smem:$0x3FB1] =	sst s7  }
0x10: {  	[smem:$0x3FB2] =	sst s8  }
0x11: {  	[smem:$0x3FB3] =	sst s9;
	s0 =	simm.s32 @!p0 $0x0  }
0x12: {  	s1 =	sld [smem:$0x3F99];
	s0 =	simm.s32 @p0 $0x1  }
0x13: {  	[smem:$0x3FB4] =	sst s0;
	s0 =	simm.s32 @!p1 $0x0  }
0x14: {  	s2 =	sld [smem:$0x3F98];
	s0 =	simm.s32 @p1 $0x1  }
0x15: {  	[smem:$0x3FB5] =	sst s0;
	s0 =	simm.s32 @!p2 $0x0  }
0x16: {  	s3 =	sld [smem:$0x3FDB];
	s0 =	simm.s32 @p2 $0x1  }
0x17: {  	s4 =	simm.s32 $0x1BF5;
	[smem:$0x3FB7] =	sst s0  }
0x18: {  	s0 =	sld [smem:$0x3F9A];
	_ =	swait.ge [sflag:s4], $0x0  }
0x19: {  	s7 =	sld [smem:$0x3F9B]  }
0x1a: {  	s8 =	sadd.s32 $0xFFFFE003, lr  }
0x1b: {  	s9 =	sadd.s32 $0xFFFFFEF7, lr;
	s5 =	simm.s32 $0xFFFFFFFF;
	p2 =	slt.u32 s8, $0xFFFFF086  }
0x1c: {  	p1 =	slt.u32 s9, $0xF7A;
	s5 =	simm.s32 @!p2 $0x0  }
0x1d: {  	s5 =	simm.s32 @p1 $0x1;
	p0 =	seq.s32 s7, s2  }
0x1e: {  	s7 =	smul.u32 @!p0 $0xF7A, s2;
	p2 =	seq.s32 @!p0 s5, $0x0  }
0x1f: {  	s9 =	smul.u32 $0xF7A, s1;
	s8 =	simm.s32 @!p0 $0x1BF5;
	p2 =	por !p2, p0  }
0x20: {  	[sflag:s8] =	ssyncset.s32 @!p0 $0xFFFFF086;
	s6 =	sadd.s32 @!p0 s3, s7;
	s7 =	simm.s32 @!p0 $0x108  }
0x21: {  	s3 =	sadd.s32 s3, s9;
	s6 =	sadd.s32 @!p0 $0x88, s6;
	s7 =	simm.s32 @p2 $0x1082  }
0x22: {  	[simem:s7], [sflag:s8] =	dma.local @!p0 [hbm:s6], $0xF7A  }
0x23: {  	s9 =	sor.u32 $0xD0000000, s2;
	s6 =	simm.s32 $0x108;
	_ =	swait.ge @!p0 [sflag:s8], $0x0  }
0x24: {  	s3 =	sadd.s32 $0x88, s3;
	s6 =	simm.s32 @!p1 $0x1082;
	[sflag:s4] =	ssyncset.s32 $0xFFFFF086  }
0x25: {  	[simem:s6], [sflag:s4] =	dma.local [hbm:s3], $0xF7A  }
0x26: {  	[smem:$0x3F9B] =	sst s1;
	(tag) =	ssettag s2;
	_ =	strace s9  }
0x27: {  	s1 =	sld [smem:$0x3FAB]  }
0x28: {  	s2 =	sld [smem:$0x3FAC]  }
0x29: {  	s4 =	sld [smem:$0x3FAE]  }
0x2a: {  	p0 =	seq.s32 s5, $0x0;
	s5 =	sld [smem:$0x3FAF]  }
0x2b: {  	s6 =	sld [smem:$0x3FB0]  }
0x2c: {  	s7 =	sld [smem:$0x3FB1]  }
0x2d: {  	s3 =	simm.s32 $0x108;
	s8 =	sld [smem:$0x3FB2]  }
0x2e: {  	s3 =	simm.s32 @!p0 $0x1082;
	s9 =	sld [smem:$0x3FB3]  }
0x2f: {  	lr =	sadd.s32 s0, s3;
	s0 =	sld [smem:$0x3FAA]  }
0x30: {  	s3 =	sld [smem:$0x3FAD]  }
0x31: {  	[smem:$0x3FB6] =	sst s10  }
0x32: {  	s10 =	sld [smem:$0x3FB4];
	_ =	sdelay $0x3  }
0x33: {  	p0 =	seq.s32 s10, $0x1;
	s10 =	sld [smem:$0x3FB6];
	_ =	sdelay $0x3  }
0x34: {  	[smem:$0x3FB6] =	sst s10  }
0x35: {  	s10 =	sld [smem:$0x3FB5];
	_ =	sdelay $0x3  }
0x36: {  	p1 =	seq.s32 s10, $0x1;
	s10 =	sld [smem:$0x3FB6];
	_ =	sdelay $0x3  }
0x37: {  	[smem:$0x3FB6] =	sst s10  }
0x38: {  	s10 =	sld [smem:$0x3FB7]  }
0x39: {  	_ = 	snop;
	(pc) =	sbr.ind lr, $3  }
0x3a: {  	_ = 	snop  }
0x3b: {  	_ = 	snop  }
0x3c: {  	p2 =	seq.s32 s10, $0x1;
	s10 =	sld [smem:$0x3FB6]  }
0x3d: {  	_ =	shalt  }
0x3e: {  	_ =	shalt  }
0x3f: {  	_ =	shalt  }
0x40: {  	_ =	shalt  }
0x41: {  	_ =	shalt  }
0x42: {  	_ =	shalt  }
0x43: {  	_ =	shalt  }
0x44: {  	_ =	shalt  }
0x45: {  	_ =	shalt  }
0x46: {  	_ =	shalt  }
0x47: {  	_ =	shalt  }
0x48: {  	_ =	shalt  }
0x49: {  	_ =	shalt  }
0x4a: {  	_ =	shalt  }
0x4b: {  	_ =	shalt  }
0x4c: {  	_ =	shalt  }
0x4d: {  	_ =	shalt  }
0x4e: {  	_ =	shalt  }
0x4f: {  	_ =	shalt  }
0x50: {  	_ =	shalt  }
0x51: {  	_ =	shalt  }
0x52: {  	_ =	shalt  }
0x53: {  	_ =	shalt  }
0x54: {  	_ =	shalt  }
0x55: {  	_ =	shalt  }
0x56: {  	_ =	shalt  }
0x57: {  	_ =	shalt  }
0x58: {  	_ =	shalt  }
0x59: {  	_ =	shalt  }
0x5a: {  	_ =	shalt  }
0x5b: {  	_ =	shalt  }
0x5c: {  	_ =	shalt  }
0x5d: {  	_ =	shalt  }
0x5e: {  	_ =	shalt  }
0x5f: {  	_ =	shalt  }
0x60: {  	_ =	shalt  }
0x61: {  	_ =	shalt  }
0x62: {  	_ =	shalt  }
0x63: {  	_ =	shalt  }
0x64: {  	_ =	shalt  }
0x65: {  	_ =	shalt  }
0x66: {  	_ =	shalt  }
0x67: {  	_ =	shalt  }
0x68: {  	_ =	shalt  }
0x69: {  	_ =	shalt  }
0x6a: {  	_ =	shalt  }
0x6b: {  	_ =	shalt  }
0x6c: {  	_ =	shalt  }
0x6d: {  	_ =	shalt  }
0x6e: {  	_ =	shalt  }
0x6f: {  	_ =	shalt  }
0x70: {  	_ =	shalt  }
0x71: {  	_ =	shalt  }
0x72: {  	_ =	shalt  }
0x73: {  	_ =	shalt  }
0x74: {  	_ =	shalt  }
0x75: {  	_ =	shalt  }
0x76: {  	_ =	shalt  }
0x77: {  	_ =	shalt  }
0x78: {  	_ =	shalt  }
0x79: {  	_ =	shalt  }
0x7a: {  	_ =	shalt  }
0x7b: {  	_ =	shalt  }
0x7c: {  	_ =	shalt  }
0x7d: {  	_ =	shalt  }
0x7e: {  	_ =	shalt  }
0x7f: {  	_ =	shalt  }
0x80: {  	_ =	shalt  }
0x81: {  	_ =	shalt  }
0x82: {  	_ =	shalt  }
0x83: {  	_ =	shalt  }
0x84: {  	_ =	shalt  }
0x85: {  	_ =	shalt  }
0x86: {  	_ =	shalt  }
0x87: {  	_ =	shalt  }
.Lfunc_end0:
.L_simem_size_0:
called_computation.2_lowered:
.L_overlay_start_0:
0x88: {  	s2 =	sld [smem:$0x3FD9]  }
0x89: {  	s3 =	sld [smem:$0x3FFE];
	_ =	sdelay $0x1  }
0x8a: {  	s1 =	srdreg.scid  }
0x8b: {  	s0 =	sand.u32 $0x1, s1  }
0x8c: {  	s17 =	sshll.u32 s0, $0xA;
	s2 =	sadd.s32 s3, s2  }
0x8d: {  	s2 =	sadd.s32 s2, s17  }
0x8e: {  	[smem:$0x3FC2] =	sst s2  }
0x8f: {  	_ = 	snop  }
0x90: {  	s2 =	sld [smem:$0x3FD0];
	(tm) =	ssettm $0x1  }
0x91: {  	s18 =	sld [smem:$0x3FFB];
	_ =	sdelay $0x3  }
0x92: {  	_ =	strace s18  }
0x93: {  	s3 =	sld [smem:$0x3FFC];
	_ =	sdelay $0x3  }
0x94: {  	_ =	strace s3  }
0x95: {  	s3 =	sld [smem:$0x3FFD];
	_ =	sdelay $0x3  }
0x96: {  	_ =	strace s3  }
0x97: {  	_ =	strace $0x8FFFFFFF  }
0x98: {  	s19 =	sld [smem:$0x3FDB];
	_ =	sdelay $0x1  }
0x99: {  	s4 =	simm.s32 $_scs_section_size  }
0x9a: {  	s5 =	simm.s32 $_size__tile_overlayer_lowered;
	s6 =	simm.s32 $_tile_overlayer_lowered  }
0x9b: {  	s22 =	simm.s32 $0x1BFF;
	s21 =	sshll.u32 s6, $0x1;
	s3 =	sadd.s32 s4, s19  }
0x9c: {  	s7 =	simm.s32 $0x0;
	s20 =	sshll.u32 s5, $0x1;
	s5 =	sadd.s32 s21, s3  }
0x9d: {  	[timem:s7], [sflag:s22] =	dma.local [hbm:s5], s20  }
0x9e: {  	_ =	swait.ge [sflag:s22], s20  }
0x9f: {  	s4 =	ssub.s32 $0x0, s20;
	[sflag:s22] =	ssyncset.done $0x0  }
0xa0: {  	[sflag:s22] =	ssyncadd.s32 s4;
	_ =	sdelay $0x1  }
0xa1: {  	s23 =	simm.s32 $0x1B8B  }
0xa2: {  	_ =	swait.ge [sflag:s23], $0x1  }
0xa3: {  	[sflag:s23] =	ssyncset.done $0x0  }
0xa4: {  	s25 =	simm.s32 $0x1B8E;
	s24 =	sld [smem:$0x3FFE];
	[sflag:s23] =	ssyncadd.s32 $0xFFFFFFFF  }
0xa5: {  	s26 =	simm.s32 $execute0_lowered;
	[smem:$0x3FD2] =	sst s25  }
0xa6: {  	s5 =	sshll.u32 s26, $0x1;
	_ =	strace $0x8000004C;
	[dreg:$0x1] =	wrdreg $0xFFFFFFFF  }
0xa7: {  	s28 =	simm.s32 $_size_execute0_lowered;
	s3 =	sadd.s32 s3, s5;
	[dreg:$0x0] =	wrdreg $0x0  }
0xa8: {  	s5 =	sshll.u32 s28, $0x1;
	[dreg:$0x2] =	wrdreg s3  }
0xa9: {  	[dreg:$0x3] =	wrdreg s5  }
0xaa: {  	[dreg:$0x4] =	wrdreg $0xC0  }
0xab: {  	_ =	task [dreg:s7], $0x5FFFF  }
0xac: {  	[dreg:$0x1] =	wrdreg $0xFFFFFFFF  }
0xad: {  	[dreg:$0x0] =	wrdreg $0x60  }
0xae: {  	[dreg:$0x2] =	wrdreg s24  }
0xaf: {  	[dreg:$0x3] =	wrdreg s2  }
0xb0: {  	[dreg:$0x4] =	wrdreg $0xCD000  }
0xb1: {  	[dreg:$0x5] =	wrdreg $0x9  }
0xb2: {  	_ =	task.clear_ibuf [dreg:s7], $0x6FFFF;
	_ =	strace $0x9000004C  }
0xb3: {  	s29 =	simm.s32 $0x9;
	_ =	strace $0x8000004E  }
0xb4: {  	_ =	swait.ge [sflag:s29], $0x1  }
0xb5: {  	[sflag:s29] =	ssyncadd.s32 $0xFFFFFFFF  }
0xb6: {  	_ =	strace $0x9000004E  }
0xb7: {  	_ =	sfence  }
0xb8: {  	s30 =	sld [smem:$0x0];
	_ =	sdelay $0x2  }
0xb9: {  	s31 =	sshll.u32 s1, $0xD;
	s1 =	sshrl.u32 s1, $0x2  }
0xba: {  	s3 =	sand.u32 $0x4000, s31;
	s1 =	sadd.s32 s1, s30  }
0xbb: {  	s0 =	sor.u32 s3, s0;
	s1 =	sshll.u32 s1, $0x11  }
0xbc: {  	s0 =	sor.u32 s1, s0  }
0xbd: {  	s0 =	sadd.s32 $0x8F2B, s0  }
0xbe: {  	[sflag:s0] =	ssyncadd.remote.s32 $0x1  }
0xbf: {  	_ =	sfence.sel $0xFFFF  }
0xc0: {  	[dreg:$0x0] =	wrdreg $0xFFFFFFFF;
	(pc) =	sbr.abs _section_cstart, $3  }
0xc1: {  	[dreg:$0x1] =	wrdreg $0xFFFFFFFF  }
0xc2: {  	_ =	task.clear_ibuf [dreg:s7], $0x2FFFF;
	_ =	strace $0x9FFFFFFF  }
0xc3: {  	(tm) =	ssettm $0x7FFFFFFF  }
tec
execute0_lowered:
.L_overlay_start_1:
0x0: {  	(tag) =	ssettag $0x1  }
0x1: {  	s5 =	rddreg [dreg:$0x0]  }
0x2: {  	s6 =	rddreg [dreg:$0x1]  }
0x3: {  	s2 =	rddreg [dreg:$0x2]  }
0x4: {  	s3 =	srdreg.scid;
	s0 =	stileid.u32;
	s13 =	simm.s32 $0x2800  }
0x5: {  	s14 =	simm.s32 $0x7D;
	s15 =	simm.s32 $0x5000;
	s16 =	simm.s32 $0x80  }
0x6: {  	s17 =	simm.s32 $0x6F40;
	s18 =	simm.s32 $0x100;
	s19 =	simm.s32 $0x8E80  }
0x7: {  	s20 =	simm.s32 $0x1;
	s21 =	simm.s32 $0x180;
	s22 =	simm.s32 $0xADC0  }
0x8: {  	s23 =	simm.s32 $0x2;
	s24 =	simm.s32 $0x0;
	s7 =	sand.u32 $0x1, s3  }
0x9: {  	s8 =	smul.u32 $0x9C40, s0;
	s3 =	simm.s32 $0x0;
	s4 =	sshll.u32 s0, $0x1  }
0xa: {  	s31 =	sshll.u32 s0, $0x6;
	s9 =	smul.u32 $0x9C400, s7;
	[smem:$0x7FF] =	sst s3  }
0xb: {  	s4 =	sor.u32 s7, s4;
	s7 =	ssub.s32 $0x2, s7;
	_ =	strace $0x8000004D  }
0xc: {  	s10 =	smul.u32 $0x500, s4;
	s4 =	sadd.s32 $0xB600, s5;
	s29 =	sshrl.u32 s7, $0x1  }
0xd: {  	s30 =	sshrl.u32 s8, $0x3;
	s12 =	sadd.s32 s8, s2;
	s9 =	sadd.s32 s8, s9  }
0xe: {  	s11 =	ssub.s32 s7, s29;
	s9 =	sshrl.u32 s9, $0x3;
	s10 =	sadd.s32 s10, s5  }
0xf: {  	s9 =	sadd.s32 s9, s5;
	s5 =	sadd.s32 s6, s30;
	s6 =	sor.u32 $0x1C03, s31  }
0x10: {  	s7 =	sadd.s32 $0x10F000, s10;
	s8 =	sadd.s32 $0x1600, s10;
	s10 =	smax.u32 s11, $0x1  }
0x11: {  	s11 =	sshrl.u32 s12, $0x3;
	s12 =	simm.s32 $0x3;
	s9 =	sadd.s32 $0x72A00, s9  }
.LBB2_1:
0x12: {  	[spmem:s11], [sflag:s6] =	dma.local [hbm:s5], $0x1388  }
0x13: {  	_ =	swait.ge [sflag:s12], $0x1388  }
0x14: {  	[sflag:s12] =	ssyncset.done $0x0  }
0x15: {  	[sflag:s12] =	ssyncadd.s32 $0xFFFFEC78  }
0x16: {  	[tilespmem:s3], [sflag:$0x3] =	stream.linear.gather [hbm4b:s7+s3], $0x2800, $0x38;
	[tilespmem:$0x16940] =	vst v63  }
0x17: {  	_ =	swait.ge [sflag:s12], $0x2800  }
0x18: {  	[sflag:s12] =	ssyncset.done $0x0  }
0x19: {  	[sflag:s12] =	ssyncadd.s32 $0xFFFFD800  }
0x1a: {  	[tilespmem:s13], [sflag:$0x3] =	stream.linear.gather [hbm4b:s8+s3], $0x2800, $0x38;
	[tilespmem:$0x16940] =	vst v63  }
0x1b: {  	_ =	swait.ge [sflag:s12], $0x2800  }
0x1c: {  	[sflag:s12] =	ssyncset.done $0x0  }
0x1d: {  	[sflag:s12] =	ssyncadd.s32 $0xFFFFD800  }
0x1e: {  	[bflag:$0x0] =	sbarrier.arrive $0xFFFF  }
0x1f: {  	[tilespmem:s15], [sflag:$0x1] =	stream.indirect.gather [hbm4b:s4+s14], $0x40, s3, s14, $0xb8;
	[tilespmem:$0x16940] =	vst v63  }
0x20: {  	_ = 	snop  }
0x21: {  	[tilespmem:s17], [sflag:$0x1] =	stream.indirect.gather [hbm4b:s4+s14], $0x40, s16, s14, $0xb8;
	[tilespmem:$0x16940] =	vst v63  }
0x22: {  	_ = 	snop  }
0x23: {  	[tilespmem:s19], [sflag:$0x1] =	stream.indirect.gather [hbm4b:s4+s14], $0x40, s18, s14, $0xb8;
	[tilespmem:$0x16940] =	vst v63  }
0x24: {  	_ =	swait.ge [sflag:s20], $0x1F40  }
0x25: {  	s25 =	simm.s32 $0x1;
	[sflag:s20] =	ssyncset.done $0x0  }
0x26: {  	s25 =	sand.u32 $0x3, s25;
	[sflag:s20] =	ssyncadd.s32 $0xFFFFE0C0  }
0x27: {  	[spmem:s2] =	stream.indirect.scatter.add.f32 [tilespmem:s15], [sflag:$0x2], $0x40, s13, s14, $0xb8;
	[tilespmem:$0x16940] =	vst v63  }
0x28: {  	s26 =	simm.s32 $0x4;
	s28 =	smul.u32 $0x7D00, s25  }
0x29: {  	[tilespmem:s22], [sflag:$0x1] =	stream.indirect.gather [hbm4b:s4+s14], $0x40, s21, s14, $0xb8;
	[tilespmem:$0x16940] =	vst v63  }
0x2a: {  	s29 =	simm.s32 $0x2880;
	p0 =	por $0x0, $0x0;
	_ =	swait.ge [sflag:s20], $0x1F40  }
0x2b: {  	s30 =	sand.u32 @!p0 $0x3, s26;
	s28 =	sshrl.u32 s28, $0x2;
	[sflag:s20] =	ssyncset.done $0x0  }
0x2c: {  	s30 =	smul.u32 @!p0 $0x7D00, s30;
	s28 =	sadd.s32 $0x5000, s28;
	[sflag:s20] =	ssyncadd.s32 $0xFFFFE0C0  }
0x2d: {  	[spmem:s2] =	stream.indirect.scatter.add.f32 [tilespmem:s28], [sflag:$0x2], $0x40, s29, s14, $0xb8;
	[tilespmem:$0x16940] =	vst v63  }
0x2e: {  	s26 =	simm.s32 $0x5;
	s25 =	simm.s32 $0x200;
	_ =	swait.ge [sflag:s23], $0x1F40  }
0x2f: {  	s31 =	sshrl.u32 @!p0 s30, $0x2;
	s30 =	simm.s32 @!p0 $0x7D;
	[sflag:s23] =	ssyncset.done $0x0  }
0x30: {  	s28 =	simm.s32 $0x280;
	s29 =	simm.s32 $0x2900;
	[sflag:s23] =	ssyncadd.s32 $0xFFFFE0C0  }
.LBB2_2:
0x31: {  	s0 =	sadd.s32 $0xFFFFFFFD, s26  }
0x32: {  	s31 =	sadd.s32 @!p0 $0x5000, s31;
	s1 =	smov.u32 s26;
	s26 =	sadd.s32 $0x1, s26  }
0x33: {  	[tilespmem:s31], [sflag:$0x1] =	stream.indirect.gather @!p0 [hbm4b:s4+s30], $0x40, s25, s30, $0xb8;
	[tilespmem:$0x16940] =	vst v63  }
0x34: {  	s30 =	sand.u32 $0x3, s0;
	p1 =	sne.s32 s26, $0x53;
	s25 =	smov.u32 s28  }
0x35: {  	s30 =	smul.u32 $0x7D00, s30  }
0x36: {  	p0 =	sgt.u32 s0, $0x4C;
	_ =	swait.ge [sflag:s20], $0x1F40  }
0x37: {  	s1 =	sand.u32 @!p0 $0x3, s1;
	s30 =	sshrl.u32 s30, $0x2;
	[sflag:s20] =	ssyncset.done $0x0  }
.Ltmp0:
0x38: {  	s0 =	sadd.s32 $0x5000, s30;
	[sflag:s20] =	ssyncadd.s32 $0xFFFFE0C0;
	(pc) =	sbr.rel @p1 .LBB2_2-.Ltmp0, $4  }
0x39: {  	[spmem:s2] =	stream.indirect.scatter.add.f32 [tilespmem:s0], [sflag:$0x2], $0x40, s29, s14, $0xb8;
	[tilespmem:$0x16940] =	vst v63  }
0x3a: {  	s0 =	smul.u32 @!p0 $0x7D00, s1;
	_ =	swait.ge [sflag:s23], $0x1F40  }
0x3b: {  	s28 =	sadd.s32 $0x80, s28;
	s29 =	sadd.s32 $0x80, s29;
	[sflag:s23] =	ssyncset.done $0x0  }
0x3c: {  	s30 =	simm.s32 @!p0 $0x7D;
	s31 =	sshrl.u32 @!p0 s0, $0x2;
	[sflag:s23] =	ssyncadd.s32 $0xFFFFE0C0  }
0x3d: {  	s0 =	sadd.s32 @!p0 $0x5000, s31  }
0x3e: {  	[tilespmem:s0], [sflag:$0x1] =	stream.indirect.gather @!p0 [hbm4b:s4+s30], $0x40, s25, s30, $0xb8;
	[tilespmem:$0x16940] =	vst v63  }
0x3f: {  	_ =	swait.ge [sflag:s23], $0x1F40  }
0x40: {  	s24 =	sadd.s32 $0x1, s24;
	[sflag:s23] =	ssyncset.done $0x0  }
0x41: {  	p0 =	sne.s32 s24, s10;
	[sflag:s23] =	ssyncadd.s32 $0xFFFFE0C0  }
.Ltmp1:
0x42: {  	[bflag:$0x0] =	sbarrier.arrive $0xFFFF;
	(pc) =	sbr.rel @p0 .LBB2_1-.Ltmp1, $4  }
0x43: {  	[hbm:s9], [sflag:s6] =	dma.local [spmem:s11], $0x1388  }
0x44: {  	_ =	swait.ge [sflag:s12], $0x1388  }
0x45: {  	[sflag:s12] =	ssyncset.done $0x0  }
0x46: {  	[sflag:s12] =	ssyncadd.s32 $0xFFFFEC78  }
0x47: {  	_ =	sfence.sel $0x180000  }
0x48: {  	[bflag:$0x0] =	sbarrier.arrive $0xFFFF  }
0x49: {  	_ =	strace $0x9000004D  }
0x4a: {  	s0 =	stileid.u32;
	[bflag:$0x2] =	sbarrier.arrive $0xFFFF  }
0x4b: {  	p0 =	sne.s32 s0, $0x0;
	s0 =	rddreg [dreg:$0x3]  }
0x4c: {  	s0 =	sadd.s32 @!p0 $0x100000, s0  }
0x4d: {  	[sflag:s0] =	ssyncadd.tile.s32 @!p0 $0x1;
	_ =	shalt  }
.Lfunc_end2:
_tile_overlayer_lowered:
.L_overlay_start_2:
0x4e: {  	(tag) =	ssettag $0x2  }
0x4f: {  	s0 =	rddreg [dreg:$0x0];
	s2 =	stileid.u32  }
0x50: {  	s1 =	rddreg [dreg:$0x1];
	p0 =	sne.s32 s2, $0x0  }
0x51: {  	s3 =	rddreg [dreg:$0x2];
	[bflag:$0x3] =	sbarrier.arrive $0xFFFF;
	s2 =	simm.s32 @!p0 $0x1C03  }
0x52: {  	[timem:s3], [sflag:s2] =	dma.local @!p0 [hbm:s0], s1  }
0x53: {  	s0 =	simm.s32 @!p0 $0x3  }
0x54: {  	_ =	swait.ge @!p0 [sflag:s0], s1  }
0x55: {  	s1 =	ssub.s32 @!p0 $0x0, s1;
	[sflag:s0] =	ssyncset.done @!p0 $0x0  }
0x56: {  	[sflag:s0] =	ssyncadd.s32 @!p0 s1  }
0x57: {  	[bflag:$0x3] =	sbarrier.arrive $0xFFFF  }
0x58: {  	_ =	shalt  }

// kernel: kernel.9.cloned.1.call-start
scs
__scs_entry_jumppad:
0x0: {  	(pc) =	sbr.rel $0x88, $3  }
0x1: {  	(tag) =	ssettag $0x0;
	lr =	simm.s32 $0x1  }
0x2: {  	[smem:$0x3F9B] =	sst lr;
	_ =	strace $0xD0000000  }
0x3: {  	_ = 	snop  }
0x4: {  	_ = 	snop  }
0x5: {  	_ = 	snop  }
0x6: {  	_ = 	snop  }
0x7: {  	_ = 	snop  }
__scs_overlays_trampoline_lowered:
0x8: {  	[smem:$0x3FAA] =	sst s0  }
0x9: {  	[smem:$0x3FAB] =	sst s1  }
0xa: {  	[smem:$0x3FAC] =	sst s2  }
0xb: {  	[smem:$0x3FAD] =	sst s3  }
0xc: {  	[smem:$0x3FAE] =	sst s4  }
0xd: {  	[smem:$0x3FAF] =	sst s5  }
0xe: {  	[smem:$0x3FB0] =	sst s6  }
0xf: {  	[smem:$0x3FB1] =	sst s7  }
0x10: {  	[smem:$0x3FB2] =	sst s8  }
0x11: {  	[smem:$0x3FB3] =	sst s9;
	s0 =	simm.s32 @!p0 $0x0  }
0x12: {  	s1 =	sld [smem:$0x3F99];
	s0 =	simm.s32 @p0 $0x1  }
0x13: {  	[smem:$0x3FB4] =	sst s0;
	s0 =	simm.s32 @!p1 $0x0  }
0x14: {  	s2 =	sld [smem:$0x3F98];
	s0 =	simm.s32 @p1 $0x1  }
0x15: {  	[smem:$0x3FB5] =	sst s0;
	s0 =	simm.s32 @!p2 $0x0  }
0x16: {  	s3 =	sld [smem:$0x3FDB];
	s0 =	simm.s32 @p2 $0x1  }
0x17: {  	s4 =	simm.s32 $0x1BF5;
	[smem:$0x3FB7] =	sst s0  }
0x18: {  	s0 =	sld [smem:$0x3F9A];
	_ =	swait.ge [sflag:s4], $0x0  }
0x19: {  	s7 =	sld [smem:$0x3F9B]  }
0x1a: {  	s8 =	sadd.s32 $0xFFFFE003, lr  }
0x1b: {  	s9 =	sadd.s32 $0xFFFFFEF7, lr;
	s5 =	simm.s32 $0xFFFFFFFF;
	p2 =	slt.u32 s8, $0xFFFFF086  }
0x1c: {  	p1 =	slt.u32 s9, $0xF7A;
	s5 =	simm.s32 @!p2 $0x0  }
0x1d: {  	s5 =	simm.s32 @p1 $0x1;
	p0 =	seq.s32 s7, s2  }
0x1e: {  	s7 =	smul.u32 @!p0 $0xF7A, s2;
	p2 =	seq.s32 @!p0 s5, $0x0  }
0x1f: {  	s9 =	smul.u32 $0xF7A, s1;
	s8 =	simm.s32 @!p0 $0x1BF5;
	p2 =	por !p2, p0  }
0x20: {  	[sflag:s8] =	ssyncset.s32 @!p0 $0xFFFFF086;
	s6 =	sadd.s32 @!p0 s3, s7;
	s7 =	simm.s32 @!p0 $0x108  }
0x21: {  	s3 =	sadd.s32 s3, s9;
	s6 =	sadd.s32 @!p0 $0x88, s6;
	s7 =	simm.s32 @p2 $0x1082  }
0x22: {  	[simem:s7], [sflag:s8] =	dma.local @!p0 [hbm:s6], $0xF7A  }
0x23: {  	s9 =	sor.u32 $0xD0000000, s2;
	s6 =	simm.s32 $0x108;
	_ =	swait.ge @!p0 [sflag:s8], $0x0  }
0x24: {  	s3 =	sadd.s32 $0x88, s3;
	s6 =	simm.s32 @!p1 $0x1082;
	[sflag:s4] =	ssyncset.s32 $0xFFFFF086  }
0x25: {  	[simem:s6], [sflag:s4] =	dma.local [hbm:s3], $0xF7A  }
0x26: {  	[smem:$0x3F9B] =	sst s1;
	(tag) =	ssettag s2;
	_ =	strace s9  }
0x27: {  	s1 =	sld [smem:$0x3FAB]  }
0x28: {  	s2 =	sld [smem:$0x3FAC]  }
0x29: {  	s4 =	sld [smem:$0x3FAE]  }
0x2a: {  	p0 =	seq.s32 s5, $0x0;
	s5 =	sld [smem:$0x3FAF]  }
0x2b: {  	s6 =	sld [smem:$0x3FB0]  }
0x2c: {  	s7 =	sld [smem:$0x3FB1]  }
0x2d: {  	s3 =	simm.s32 $0x108;
	s8 =	sld [smem:$0x3FB2]  }
0x2e: {  	s3 =	simm.s32 @!p0 $0x1082;
	s9 =	sld [smem:$0x3FB3]  }
0x2f: {  	lr =	sadd.s32 s0, s3;
	s0 =	sld [smem:$0x3FAA]  }
0x30: {  	s3 =	sld [smem:$0x3FAD]  }
0x31: {  	[smem:$0x3FB6] =	sst s10  }
0x32: {  	s10 =	sld [smem:$0x3FB4];
	_ =	sdelay $0x3  }
0x33: {  	p0 =	seq.s32 s10, $0x1;
	s10 =	sld [smem:$0x3FB6];
	_ =	sdelay $0x3  }
0x34: {  	[smem:$0x3FB6] =	sst s10  }
0x35: {  	s10 =	sld [smem:$0x3FB5];
	_ =	sdelay $0x3  }
0x36: {  	p1 =	seq.s32 s10, $0x1;
	s10 =	sld [smem:$0x3FB6];
	_ =	sdelay $0x3  }
0x37: {  	[smem:$0x3FB6] =	sst s10  }
0x38: {  	s10 =	sld [smem:$0x3FB7]  }
0x39: {  	_ = 	snop;
	(pc) =	sbr.ind lr, $3  }
0x3a: {  	_ = 	snop  }
0x3b: {  	_ = 	snop  }
0x3c: {  	p2 =	seq.s32 s10, $0x1;
	s10 =	sld [smem:$0x3FB6]  }
0x3d: {  	_ =	shalt  }
0x3e: {  	_ =	shalt  }
0x3f: {  	_ =	shalt  }
0x40: {  	_ =	shalt  }
0x41: {  	_ =	shalt  }
0x42: {  	_ =	shalt  }
0x43: {  	_ =	shalt  }
0x44: {  	_ =	shalt  }
0x45: {  	_ =	shalt  }
0x46: {  	_ =	shalt  }
0x47: {  	_ =	shalt  }
0x48: {  	_ =	shalt  }
0x49: {  	_ =	shalt  }
0x4a: {  	_ =	shalt  }
0x4b: {  	_ =	shalt  }
0x4c: {  	_ =	shalt  }
0x4d: {  	_ =	shalt  }
0x4e: {  	_ =	shalt  }
0x4f: {  	_ =	shalt  }
0x50: {  	_ =	shalt  }
0x51: {  	_ =	shalt  }
0x52: {  	_ =	shalt  }
0x53: {  	_ =	shalt  }
0x54: {  	_ =	shalt  }
0x55: {  	_ =	shalt  }
0x56: {  	_ =	shalt  }
0x57: {  	_ =	shalt  }
0x58: {  	_ =	shalt  }
0x59: {  	_ =	shalt  }
0x5a: {  	_ =	shalt  }
0x5b: {  	_ =	shalt  }
0x5c: {  	_ =	shalt  }
0x5d: {  	_ =	shalt  }
0x5e: {  	_ =	shalt  }
0x5f: {  	_ =	shalt  }
0x60: {  	_ =	shalt  }
0x61: {  	_ =	shalt  }
0x62: {  	_ =	shalt  }
0x63: {  	_ =	shalt  }
0x64: {  	_ =	shalt  }
0x65: {  	_ =	shalt  }
0x66: {  	_ =	shalt  }
0x67: {  	_ =	shalt  }
0x68: {  	_ =	shalt  }
0x69: {  	_ =	shalt  }
0x6a: {  	_ =	shalt  }
0x6b: {  	_ =	shalt  }
0x6c: {  	_ =	shalt  }
0x6d: {  	_ =	shalt  }
0x6e: {  	_ =	shalt  }
0x6f: {  	_ =	shalt  }
0x70: {  	_ =	shalt  }
0x71: {  	_ =	shalt  }
0x72: {  	_ =	shalt  }
0x73: {  	_ =	shalt  }
0x74: {  	_ =	shalt  }
0x75: {  	_ =	shalt  }
0x76: {  	_ =	shalt  }
0x77: {  	_ =	shalt  }
0x78: {  	_ =	shalt  }
0x79: {  	_ =	shalt  }
0x7a: {  	_ =	shalt  }
0x7b: {  	_ =	shalt  }
0x7c: {  	_ =	shalt  }
0x7d: {  	_ =	shalt  }
0x7e: {  	_ =	shalt  }
0x7f: {  	_ =	shalt  }
0x80: {  	_ =	shalt  }
0x81: {  	_ =	shalt  }
0x82: {  	_ =	shalt  }
0x83: {  	_ =	shalt  }
0x84: {  	_ =	shalt  }
0x85: {  	_ =	shalt  }
0x86: {  	_ =	shalt  }
0x87: {  	_ =	shalt  }
.Lfunc_end0:
.L_simem_size_0:
called_computation_lowered:
.L_overlay_start_0:
0x88: {  	s2 =	sld [smem:$0x3FD9]  }
0x89: {  	s3 =	sld [smem:$0x3FFE];
	_ =	sdelay $0x1  }
0x8a: {  	s1 =	srdreg.scid  }
0x8b: {  	s0 =	sand.u32 $0x1, s1  }
0x8c: {  	s17 =	sshll.u32 s0, $0xA;
	s2 =	sadd.s32 s3, s2  }
0x8d: {  	s2 =	sadd.s32 s2, s17  }
0x8e: {  	[smem:$0x3FC2] =	sst s2  }
0x8f: {  	_ = 	snop  }
0x90: {  	s2 =	sld [smem:$0x3FD0];
	(tm) =	ssettm $0x1  }
0x91: {  	s18 =	sld [smem:$0x3FFB];
	_ =	sdelay $0x3  }
0x92: {  	_ =	strace s18  }
0x93: {  	s3 =	sld [smem:$0x3FFC];
	_ =	sdelay $0x3  }
0x94: {  	_ =	strace s3  }
0x95: {  	s3 =	sld [smem:$0x3FFD];
	_ =	sdelay $0x3  }
0x96: {  	_ =	strace s3  }
0x97: {  	_ =	strace $0x8FFFFFFF  }
0x98: {  	s19 =	sld [smem:$0x3FDB];
	_ =	sdelay $0x1  }
0x99: {  	s4 =	simm.s32 $_scs_section_size  }
0x9a: {  	s5 =	simm.s32 $_size__tile_overlayer_lowered;
	s6 =	simm.s32 $_tile_overlayer_lowered  }
0x9b: {  	s22 =	simm.s32 $0x1BFF;
	s21 =	sshll.u32 s6, $0x1;
	s3 =	sadd.s32 s4, s19  }
0x9c: {  	s7 =	simm.s32 $0x0;
	s20 =	sshll.u32 s5, $0x1;
	s5 =	sadd.s32 s21, s3  }
0x9d: {  	[timem:s7], [sflag:s22] =	dma.local [hbm:s5], s20  }
0x9e: {  	_ =	swait.ge [sflag:s22], s20  }
0x9f: {  	s4 =	ssub.s32 $0x0, s20;
	[sflag:s22] =	ssyncset.done $0x0  }
0xa0: {  	[sflag:s22] =	ssyncadd.s32 s4;
	_ =	sdelay $0x1  }
0xa1: {  	s23 =	simm.s32 $0x1B8B  }
0xa2: {  	_ =	swait.ge [sflag:s23], $0x1  }
0xa3: {  	[sflag:s23] =	ssyncset.done $0x0  }
0xa4: {  	s25 =	simm.s32 $0x1B8E;
	s24 =	sld [smem:$0x3FFE];
	[sflag:s23] =	ssyncadd.s32 $0xFFFFFFFF  }
0xa5: {  	s26 =	simm.s32 $execute0_lowered;
	[smem:$0x3FD2] =	sst s25  }
0xa6: {  	s5 =	sshll.u32 s26, $0x1;
	_ =	strace $0x80000046;
	[dreg:$0x1] =	wrdreg $0xFFFFFFFF  }
0xa7: {  	s28 =	simm.s32 $_size_execute0_lowered;
	s3 =	sadd.s32 s3, s5;
	[dreg:$0x0] =	wrdreg $0x0  }
0xa8: {  	s5 =	sshll.u32 s28, $0x1;
	[dreg:$0x2] =	wrdreg s3  }
0xa9: {  	[dreg:$0x3] =	wrdreg s5  }
0xaa: {  	[dreg:$0x4] =	wrdreg $0xC0  }
0xab: {  	_ =	task [dreg:s7], $0x5FFFF  }
0xac: {  	[dreg:$0x1] =	wrdreg $0xFFFFFFFF  }
0xad: {  	[dreg:$0x0] =	wrdreg $0x60  }
0xae: {  	[dreg:$0x2] =	wrdreg s24  }
0xaf: {  	[dreg:$0x3] =	wrdreg s2  }
0xb0: {  	[dreg:$0x4] =	wrdreg $0x2FD00  }
0xb1: {  	[dreg:$0x5] =	wrdreg $0x9  }
0xb2: {  	_ =	task.clear_ibuf [dreg:s7], $0x6FFFF;
	_ =	strace $0x90000046  }
0xb3: {  	s29 =	simm.s32 $0x9;
	_ =	strace $0x80000048  }
0xb4: {  	_ =	swait.ge [sflag:s29], $0x1  }
0xb5: {  	[sflag:s29] =	ssyncadd.s32 $0xFFFFFFFF  }
0xb6: {  	_ =	strace $0x90000048  }
0xb7: {  	_ =	sfence  }
0xb8: {  	s30 =	sld [smem:$0x0];
	_ =	sdelay $0x2  }
0xb9: {  	s31 =	sshll.u32 s1, $0xD;
	s1 =	sshrl.u32 s1, $0x2  }
0xba: {  	s3 =	sand.u32 $0x4000, s31;
	s1 =	sadd.s32 s1, s30  }
0xbb: {  	s0 =	sor.u32 s3, s0;
	s1 =	sshll.u32 s1, $0x11  }
0xbc: {  	s0 =	sor.u32 s1, s0  }
0xbd: {  	s0 =	sadd.s32 $0x8F2B, s0  }
0xbe: {  	[sflag:s0] =	ssyncadd.remote.s32 $0x1  }
0xbf: {  	_ =	sfence.sel $0xFFFF  }
0xc0: {  	[dreg:$0x0] =	wrdreg $0xFFFFFFFF;
	(pc) =	sbr.abs _section_cstart, $3  }
0xc1: {  	[dreg:$0x1] =	wrdreg $0xFFFFFFFF  }
0xc2: {  	_ =	task.clear_ibuf [dreg:s7], $0x2FFFF;
	_ =	strace $0x9FFFFFFF  }
0xc3: {  	(tm) =	ssettm $0x7FFFFFFF  }
tec
execute0_lowered:
.L_overlay_start_1:
0x0: {  	(tag) =	ssettag $0x1  }
0x1: {  	s5 =	rddreg [dreg:$0x0]  }
0x2: {  	s8 =	rddreg [dreg:$0x1]  }
0x3: {  	s2 =	rddreg [dreg:$0x2]  }
0x4: {  	s0 =	rddreg [dreg:$0x3]  }
0x5: {  	s3 =	simm.s32 $0x0;
	s4 =	srdreg.scid;
	s1 =	stileid.u32  }
0x6: {  	s13 =	simm.s32 $0x7D;
	s14 =	simm.s32 $0x1;
	s15 =	simm.s32 $0x0  }
0x7: {  	[smem:$0x7FF] =	sst s3;
	s6 =	sand.u32 $0x1, s4;
	s29 =	sshll.u32 s1, $0x1  }
0x8: {  	s9 =	smul.u32 $0x2710, s1;
	s4 =	sadd.s32 $0x10600, s5;
	s31 =	sshll.u32 s1, $0x6  }
0x9: {  	s7 =	sor.u32 s6, s29;
	s10 =	ssub.s32 $0x2, s6;
	s6 =	smul.u32 $0x27100, s6  }
0xa: {  	_ =	strace $0x80000047;
	s7 =	smul.u32 $0x500, s7;
	s12 =	sshrl.u32 s10, $0x1  }
0xb: {  	s11 =	sshrl.u32 s9, $0x3;
	s30 =	sadd.s32 s9, s2;
	s10 =	ssub.s32 s10, s12  }
0xc: {  	s9 =	sadd.s32 s9, s6;
	s6 =	sor.u32 $0x1C02, s31;
	s12 =	simm.s32 $0x2800  }
0xd: {  	s7 =	sadd.s32 s7, s5;
	s5 =	sadd.s32 s11, s5;
	s9 =	sshrl.u32 s9, $0x3  }
0xe: {  	s11 =	simm.s32 $0x2;
	s5 =	sadd.s32 $0xB600, s5;
	s7 =	sadd.s32 $0x1600, s7  }
0xf: {  	s8 =	sadd.s32 s8, s9;
	s9 =	smax.u32 s10, $0x1;
	s10 =	sshrl.u32 s30, $0x3  }
.LBB2_1:
0x10: {  	[spmem:s10], [sflag:s6] =	dma.local [hbm:s5], $0x4E2  }
0x11: {  	_ =	swait.ge [sflag:s11], $0x4E2  }
0x12: {  	[sflag:s11] =	ssyncset.done $0x0  }
0x13: {  	[sflag:s11] =	ssyncadd.s32 $0xFFFFFB1E  }
0x14: {  	[tilespmem:s3], [sflag:$0x2] =	stream.linear.gather [hbm4b:s7+s3], $0x2800, $0x38;
	[tilespmem:$0x56E0] =	vst v63  }
0x15: {  	_ =	swait.ge [sflag:s11], $0x2800  }
0x16: {  	[sflag:s11] =	ssyncset.done $0x0  }
0x17: {  	[sflag:s11] =	ssyncadd.s32 $0xFFFFD800  }
0x18: {  	[tilespmem:s12], [sflag:$0x2] =	stream.linear.gather [hbm4b:s4+s3], $0x7D0, $0x38;
	[tilespmem:$0x56E0] =	vst v63  }
0x19: {  	_ =	swait.ge [sflag:s11], $0x7D0  }
0x1a: {  	[sflag:s11] =	ssyncset.done $0x0  }
0x1b: {  	[sflag:s11] =	ssyncadd.s32 $0xFFFFF830  }
0x1c: {  	[bflag:$0x0] =	sbarrier.arrive $0xFFFF  }
0x1d: {  	[spmem:s2] =	stream.indirect.scatter.add.f32 [tilespmem:s12], [sflag:$0x1], $0x10, s3, s13, $0xb8;
	[tilespmem:$0x56E0] =	vst v63  }
0x1e: {  	s16 =	simm.s32 $0x80  }
0x1f: {  	[spmem:s2] =	stream.indirect.scatter.add.f32 [tilespmem:s12], [sflag:$0x1], $0x10, s16, s13, $0xb8;
	[tilespmem:$0x56E0] =	vst v63  }
0x20: {  	_ =	swait.ge [sflag:s14], $0x7D0  }
0x21: {  	s16 =	simm.s32 $0x400;
	[sflag:s14] =	ssyncset.done $0x0  }
.LBB2_2:
0x22: {  	s17 =	sshra.s32 s16, $0x2;
	[sflag:s14] =	ssyncadd.s32 $0xFFFFF830;
	p0 =	sne.s32 s16, $0x9E00  }
0x23: {  	[spmem:s2] =	stream.indirect.scatter.add.f32 [tilespmem:s12], [sflag:$0x1], $0x10, s17, s13, $0xb8;
	[tilespmem:$0x56E0] =	vst v63  }
.Ltmp0:
0x24: {  	_ = 	snop;
	(pc) =	sbr.rel @p0 .LBB2_2-.Ltmp0, $4  }
0x25: {  	_ = 	snop  }
0x26: {  	s16 =	sadd.s32 $0x200, s16  }
0x27: {  	_ =	swait.ge [sflag:s14], $0x7D0  }
0x28: {  	[sflag:s14] =	ssyncset.done $0x0  }
0x29: {  	[sflag:s14] =	ssyncadd.s32 $0xFFFFF830  }
0x2a: {  	_ =	swait.ge [sflag:s14], $0x7D0  }
0x2b: {  	s15 =	sadd.s32 $0x1, s15;
	[sflag:s14] =	ssyncset.done $0x0  }
0x2c: {  	p0 =	sne.s32 s15, s9;
	[sflag:s14] =	ssyncadd.s32 $0xFFFFF830  }
.Ltmp1:
0x2d: {  	[bflag:$0x0] =	sbarrier.arrive $0xFFFF;
	(pc) =	sbr.rel @p0 .LBB2_1-.Ltmp1, $4  }
0x2e: {  	[hbm:s8], [sflag:s6] =	dma.local [spmem:s10], $0x4E2  }
0x2f: {  	_ =	swait.ge [sflag:s11], $0x4E2  }
0x30: {  	[sflag:s11] =	ssyncset.done $0x0  }
0x31: {  	[sflag:s11] =	ssyncadd.s32 $0xFFFFFB1E  }
0x32: {  	_ =	sfence.sel $0x180000  }
0x33: {  	[bflag:$0x0] =	sbarrier.arrive $0xFFFF  }
0x34: {  	p0 =	sne.s32 s1, $0x0;
	_ =	strace $0x90000047  }
0x35: {  	s0 =	sadd.s32 @!p0 $0x100000, s0;
	[bflag:$0x2] =	sbarrier.arrive $0xFFFF  }
0x36: {  	[sflag:s0] =	ssyncadd.tile.s32 @!p0 $0x1;
	_ =	shalt  }
.Lfunc_end2:
_tile_overlayer_lowered:
.L_overlay_start_2:
0x37: {  	(tag) =	ssettag $0x2  }
0x38: {  	s0 =	rddreg [dreg:$0x0];
	s2 =	stileid.u32  }
0x39: {  	s1 =	rddreg [dreg:$0x1];
	p0 =	sne.s32 s2, $0x0  }
0x3a: {  	s3 =	rddreg [dreg:$0x2];
	[bflag:$0x3] =	sbarrier.arrive $0xFFFF;
	s2 =	simm.s32 @!p0 $0x1C02  }
0x3b: {  	[timem:s3], [sflag:s2] =	dma.local @!p0 [hbm:s0], s1  }
0x3c: {  	s0 =	simm.s32 @!p0 $0x2  }
0x3d: {  	_ =	swait.ge @!p0 [sflag:s0], s1  }
0x3e: {  	s1 =	ssub.s32 @!p0 $0x0, s1;
	[sflag:s0] =	ssyncset.done @!p0 $0x0  }
0x3f: {  	[sflag:s0] =	ssyncadd.s32 @!p0 s1  }
0x40: {  	[bflag:$0x3] =	sbarrier.arrive $0xFFFF  }
0x41: {  	_ =	shalt  }

</sc_bundles>
